<compile_context>
chip_gen: v7x
topology: tpu7x:2x2x1
jax: 0.10.2.dev20260603
libtpu: 0.0.44.dev20260713+nightly
codegen_flags: <defaults>
</compile_context>

<pallas_src>
import functools

import jax
import jax.numpy as jnp
from jax import lax
from jax.experimental import pallas as pl
from jax.experimental.pallas import tpu as pltpu
from jax.experimental.pallas import tpu_sc as plsc

B = 16384
D = 64
DP = 128
NROWS = 1000000
N_ACT = 300
N_PAD = 384
O_PAD = 8
Y_LO, Y_HI = 0.0, 5.5

_info = plsc.get_sparse_core_info()
NC, NS = _info.num_cores, _info.num_subcores
NW = NC * NS
B_PER_W = B // NW
CH = 128
NCHUNK = B_PER_W // CH

RL_BS = 32768
RL_LOG = 15
RL_Q = RL_BS // 4
RL_GRID = (NROWS + RL_BS - 1) // RL_BS
NQ_PAD = RL_GRID * RL_Q


def _pack_pair(a, b):
    ab = lax.bitcast_convert_type(a.astype(jnp.bfloat16), jnp.uint16)
    bb = lax.bitcast_convert_type(b.astype(jnp.bfloat16), jnp.uint16)
    w = (ab.astype(jnp.uint32) << 16) | bb.astype(jnp.uint32)
    return lax.bitcast_convert_type(w, jnp.float32)


def _relayout_body(inT_ref, out_ref):
    x = inT_ref[...]
    p01 = _pack_pair(x[:, 0 * RL_Q:1 * RL_Q], x[:, 1 * RL_Q:2 * RL_Q])
    p23 = _pack_pair(x[:, 2 * RL_Q:3 * RL_Q], x[:, 3 * RL_Q:4 * RL_Q])
    out_ref[:, :D] = p01.T
    out_ref[:, D:] = p23.T


def _relayout(tabT):
    return pl.pallas_call(
        _relayout_body,
        grid=(RL_GRID,),
        in_specs=[pl.BlockSpec((D, RL_BS), lambda i: (0, i))],
        out_specs=pl.BlockSpec((RL_Q, DP), lambda i: (i, 0)),
        out_shape=jax.ShapeDtypeStruct((NQ_PAD, DP), jnp.float32),
    )(tabT)


def _make_gather():
    mesh = plsc.VectorSubcoreMesh(core_axis_name="c", subcore_axis_name="s")

    @functools.partial(
        pl.kernel,
        mesh=mesh,
        compiler_params=pltpu.CompilerParams(use_tc_tiling_on_sc=True),
        out_type=(
            jax.ShapeDtypeStruct((B, DP), jnp.float32),
            jax.ShapeDtypeStruct((B, DP), jnp.float32),
        ),
        scratch_types=[
            pltpu.VMEM((NCHUNK, CH), jnp.int32),
            pltpu.VMEM((NCHUNK, CH), jnp.int32),
            pltpu.VMEM((B_PER_W, DP), jnp.float32),
            pltpu.SemaphoreType.DMA,
        ],
    )
    def gather(uidx_hbm, iidx_hbm, user_hbm, item_hbm, u_out, it_out,
               uidx_v, iidx_v, rows, sem):
        wid = lax.axis_index("s") * NC + lax.axis_index("c")
        base = wid * NCHUNK
        rbase = wid * B_PER_W
        pltpu.sync_copy(uidx_hbm.at[pl.ds(base, NCHUNK)], uidx_v)
        pltpu.sync_copy(iidx_hbm.at[pl.ds(base, NCHUNK)], iidx_v)
        copies = []
        for j in range(NCHUNK):
            copies.append(pltpu.async_copy(
                user_hbm.at[uidx_v.at[j]], rows.at[pl.ds(j * CH, CH)], sem))
        for c in copies:
            c.wait()
        pltpu.sync_copy(rows, u_out.at[pl.ds(rbase, B_PER_W)])
        copies = []
        for j in range(NCHUNK):
            copies.append(pltpu.async_copy(
                item_hbm.at[iidx_v.at[j]], rows.at[pl.ds(j * CH, CH)], sem))
        for c in copies:
            c.wait()
        pltpu.sync_copy(rows, it_out.at[pl.ds(rbase, B_PER_W)])

    return gather


_gather = _make_gather()


def _unpack_select(u2, half, hi):
    w = jnp.where(half > 0, u2[:, D:], u2[:, :D])
    bits = lax.bitcast_convert_type(w, jnp.uint32)
    b16 = jnp.where(hi > 0, bits & jnp.uint32(0xFFFF0000), bits << 16)
    return lax.bitcast_convert_type(b16, jnp.float32)


def _mlp_body(u2_ref, it2_ref, us_ref, is_ref,
              w1u_ref, w1i_ref, b1_ref, w2_ref, b2_ref, out_ref):
    us = us_ref[:, 0:1]
    isel = is_ref[:, 0:1]
    u = _unpack_select(u2_ref[...], us & 2, 1 - (us & 1))
    it = _unpack_select(it2_ref[...], isel & 2, 1 - (isel & 1))
    h = jnp.dot(u, w1u_ref[...], preferred_element_type=jnp.float32)
    h = h + jnp.dot(it, w1i_ref[...], preferred_element_type=jnp.float32)
    h = jnp.maximum(h + b1_ref[0:1, :], 0.0)
    o = jnp.dot(h, w2_ref[...], preferred_element_type=jnp.float32)
    o = o + b2_ref[0:1, :]
    out_ref[...] = jax.nn.sigmoid(o) * (Y_HI - Y_LO) + Y_LO


def _mlp(u2, it2, us, isel, w1u, w1i, b1p, w2p, b2p, bs=2048):
    grid = (B // bs,)
    return pl.pallas_call(
        _mlp_body,
        grid=grid,
        in_specs=[
            pl.BlockSpec((bs, DP), lambda i: (i, 0)),
            pl.BlockSpec((bs, DP), lambda i: (i, 0)),
            pl.BlockSpec((bs, 8), lambda i: (i, 0)),
            pl.BlockSpec((bs, 8), lambda i: (i, 0)),
            pl.BlockSpec((D, N_PAD), lambda i: (0, 0)),
            pl.BlockSpec((D, N_PAD), lambda i: (0, 0)),
            pl.BlockSpec((8, N_PAD), lambda i: (0, 0)),
            pl.BlockSpec((N_PAD, O_PAD), lambda i: (0, 0)),
            pl.BlockSpec((8, O_PAD), lambda i: (0, 0)),
        ],
        out_specs=pl.BlockSpec((bs, O_PAD), lambda i: (i, 0)),
        out_shape=jax.ShapeDtypeStruct((B, O_PAD), jnp.float32),
    )(u2, it2, us, isel, w1u, w1i, b1p, w2p, b2p)


@jax.jit
def kernel(x, user_factors, item_factors0, W1, b1, W2, b2):
    uidx = x[:, 0]
    iidx = x[:, 1]
    uidx2 = ((uidx >> RL_LOG) * RL_Q + (uidx & (RL_Q - 1))).reshape(B // CH, CH)
    iidx2 = ((iidx >> RL_LOG) * RL_Q + (iidx & (RL_Q - 1))).reshape(B // CH, CH)
    us = jnp.broadcast_to(
        ((uidx >> (RL_LOG - 2)) & 3).astype(jnp.int32).reshape(B, 1), (B, 8))
    isel = jnp.broadcast_to(
        ((iidx >> (RL_LOG - 2)) & 3).astype(jnp.int32).reshape(B, 1), (B, 8))

    utab = _relayout(user_factors.T)
    itab = _relayout(item_factors0.T)
    u2, it2 = _gather(uidx2, iidx2, utab, itab)

    w1u = W1[:, :D].T
    w1i = W1[:, D:].T
    w1u = jnp.pad(w1u, ((0, 0), (0, N_PAD - N_ACT)))
    w1i = jnp.pad(w1i, ((0, 0), (0, N_PAD - N_ACT)))
    b1p = jnp.broadcast_to(jnp.pad(b1, (0, N_PAD - N_ACT)), (8, N_PAD))
    w2p = jnp.pad(W2.T, ((0, N_PAD - N_ACT), (0, O_PAD - 5)))
    b2p = jnp.broadcast_to(jnp.pad(b2, (0, O_PAD - 5)), (8, O_PAD))

    out = _mlp(u2, it2, us, isel, w1u, w1i, b1p, w2p, b2p)
    return out[:, :5]

# --- scband reference (transcript-rebuilt; emitter-appended) ---
"""Pipeline reference for scband-collab-nn-77120432767631 (READ-ONLY COPY).

The authoritative reference and input builder live on the scoring server;
editing this copy changes nothing except your own understanding.
"""

import jax, jax.numpy as jnp
import numpy as np

NUM_USERS = 1000000
NUM_ITEMS = 1000000
D_USER = 64
D_ITEM = 64
N_ACT = 300
Y_LO, Y_HI = 0.0, 5.5
BATCH = 16384


def setup_inputs(seed: int = 0) -> dict:
    key = jax.random.key(seed)
    ks = jax.random.split(key, 8)
    x = jax.random.randint(ks[0], (BATCH, 2), 0, NUM_USERS, dtype=jnp.int64 if jax.config.jax_enable_x64 else jnp.int32).astype(jnp.int32)
    user_factors = jax.random.normal(ks[1], (NUM_USERS, D_USER), dtype=jnp.float32) * 0.01
    item_factors0 = jax.random.normal(ks[2], (NUM_ITEMS, D_ITEM), dtype=jnp.float32) * 0.01
    d_in = D_USER + D_ITEM
    W1 = jax.random.normal(ks[3], (N_ACT, d_in), dtype=jnp.float32) * (1.0 / np.sqrt(d_in))
    b1 = jnp.zeros((N_ACT,), dtype=jnp.float32)
    W2 = jax.random.normal(ks[4], (5, N_ACT), dtype=jnp.float32) * (1.0 / np.sqrt(N_ACT))
    b2 = jnp.zeros((5,), dtype=jnp.float32)
    return {"x": x, "user_factors": user_factors, "item_factors0": item_factors0, "W1": W1, "b1": b1, "W2": W2, "b2": b2}


def reference(x, user_factors, item_factors0, W1, b1, W2, b2):
    u = jnp.take(user_factors, x[:, 0], axis=0)
    it = jnp.take(item_factors0, x[:, 1], axis=0)
    h = jnp.concatenate([u, it], axis=1)
    h = jnp.maximum(h @ W1.T + b1, 0.0)
    out = h @ W2.T + b2
    return jax.nn.sigmoid(out) * (Y_HI - Y_LO) + Y_LO

if __name__ == "__main__":
    import jax
    _d = setup_inputs()
    print(jax.jit(kernel)(*tuple(_d.values())))

</pallas_src>

<mosaic_0001>
#map = affine_map<(d0, d1) -> (0, 0)>
module attributes {stable_mosaic.version = 14 : i64} {
  func.func @gather(%arg0: i32, %arg1: i32, %arg2: memref<128x128xi32, #tpu.memory_space<hbm>>, %arg3: memref<128x128xi32, #tpu.memory_space<hbm>>, %arg4: memref<253952x128xf32, #tpu.memory_space<hbm>>, %arg5: memref<253952x128xf32, #tpu.memory_space<hbm>>, %arg6: memref<16384x128xf32, #tpu.memory_space<hbm>>, %arg7: memref<16384x128xf32, #tpu.memory_space<hbm>>, %arg8: memref<4x128xi32, #tpu.memory_space<vmem>>, %arg9: memref<4x128xi32, #tpu.memory_space<vmem>>, %arg10: memref<512x128xf32, #tpu.memory_space<vmem>>, %arg11: memref<!tpu.dma_semaphore, #tpu.memory_space<semaphore_mem>>) attributes {dimension_semantics = [#tpu.dimension_semantics<core_parallel>, #tpu.dimension_semantics<subcore_parallel>], iteration_bounds = array<i64: 2, 16>, scalar_prefetch = 0 : i64, scratch_operands = 4 : i64, tpu.core_type = #tpu.core_type<sc_vector_subcore>, window_params = [{transform_indices = #map}, {transform_indices = #map}, {transform_indices = #map}, {transform_indices = #map}, {transform_indices = #map}, {transform_indices = #map}]} {
    %mul3A = arith.constant 2 : i32
    %mul3A_0 = arith.muli %arg1, %mul3A : i32
    %add3A = arith.addi %mul3A_0, %arg0 : i32
    %mul3A_1 = arith.constant 4 : i32
    %mul3A_2 = arith.muli %add3A, %mul3A_1 : i32
    %mul3A_3 = arith.constant 512 : i32
    %mul3A_4 = arith.muli %add3A, %mul3A_3 : i32
    "tpu.region"() ({
      %run_scoped3A = tpu.sem_alloc : memref<!tpu.dma_semaphore, #tpu.memory_space<semaphore_mem>>
      %dma_start3A_163 = arith.constant 0 : i32
      %dma_start3A_164 = tpu.memref_slice %arg2[%mul3A_2, %dma_start3A_163] : memref<128x128xi32, #tpu.memory_space<hbm>> -> memref<4x128xi32, #tpu.memory_space<hbm>>
      %dma_start3A_165 = arith.constant 0 : i32
      %dma_start3A_166 = tpu.memref_slice %arg2[%mul3A_2, %dma_start3A_165] : memref<128x128xi32, #tpu.memory_space<hbm>> -> memref<4x128xi32, #tpu.memory_space<hbm>>
      tpu.enqueue_dma source(%dma_start3A_166 : memref<4x128xi32, #tpu.memory_space<hbm>>) target(%arg8 : memref<4x128xi32, #tpu.memory_space<vmem>>) target_semaphore(%run_scoped3A : memref<!tpu.dma_semaphore, #tpu.memory_space<semaphore_mem>>)
      %dma_wait3A_167 = arith.constant 0 : i32
      %dma_wait3A_168 = tpu.memref_slice %arg2[%mul3A_2, %dma_wait3A_167] : memref<128x128xi32, #tpu.memory_space<hbm>> -> memref<4x128xi32, #tpu.memory_space<hbm>>
      %dma_wait3A_169 = arith.constant 0 : i32
      %dma_wait3A_170 = tpu.memref_slice %arg2[%mul3A_2, %dma_wait3A_169] : memref<128x128xi32, #tpu.memory_space<hbm>> -> memref<4x128xi32, #tpu.memory_space<hbm>>
      tpu.wait_dma2 semaphore(%run_scoped3A : memref<!tpu.dma_semaphore, #tpu.memory_space<semaphore_mem>>) src(%dma_wait3A_170 : memref<4x128xi32, #tpu.memory_space<hbm>>) dst(%arg8 : memref<4x128xi32, #tpu.memory_space<vmem>>)
      tpu.yield
    }) : () -> ()
    "tpu.region"() ({
      %run_scoped3A = tpu.sem_alloc : memref<!tpu.dma_semaphore, #tpu.memory_space<semaphore_mem>>
      %dma_start3A_163 = arith.constant 0 : i32
      %dma_start3A_164 = tpu.memref_slice %arg3[%mul3A_2, %dma_start3A_163] : memref<128x128xi32, #tpu.memory_space<hbm>> -> memref<4x128xi32, #tpu.memory_space<hbm>>
      %dma_start3A_165 = arith.constant 0 : i32
      %dma_start3A_166 = tpu.memref_slice %arg3[%mul3A_2, %dma_start3A_165] : memref<128x128xi32, #tpu.memory_space<hbm>> -> memref<4x128xi32, #tpu.memory_space<hbm>>
      tpu.enqueue_dma source(%dma_start3A_166 : memref<4x128xi32, #tpu.memory_space<hbm>>) target(%arg9 : memref<4x128xi32, #tpu.memory_space<vmem>>) target_semaphore(%run_scoped3A : memref<!tpu.dma_semaphore, #tpu.memory_space<semaphore_mem>>)
      %dma_wait3A_167 = arith.constant 0 : i32
      %dma_wait3A_168 = tpu.memref_slice %arg3[%mul3A_2, %dma_wait3A_167] : memref<128x128xi32, #tpu.memory_space<hbm>> -> memref<4x128xi32, #tpu.memory_space<hbm>>
      %dma_wait3A_169 = arith.constant 0 : i32
      %dma_wait3A_170 = tpu.memref_slice %arg3[%mul3A_2, %dma_wait3A_169] : memref<128x128xi32, #tpu.memory_space<hbm>> -> memref<4x128xi32, #tpu.memory_space<hbm>>
      tpu.wait_dma2 semaphore(%run_scoped3A : memref<!tpu.dma_semaphore, #tpu.memory_space<semaphore_mem>>) src(%dma_wait3A_170 : memref<4x128xi32, #tpu.memory_space<hbm>>) dst(%arg9 : memref<4x128xi32, #tpu.memory_space<vmem>>)
      tpu.yield
    }) : () -> ()
    %dma_start3A = arith.constant 0 : i32
    %dma_start3A_5 = arith.constant 0 : i32
    %dma_start3A_6 = arith.constant 0 : i32
    %dma_start3A_7 = tpu.memref_slice %arg10[%dma_start3A_5, %dma_start3A_6] : memref<512x128xf32, #tpu.memory_space<vmem>> -> memref<128x128xf32, #tpu.memory_space<vmem>>
    %dma_start3A_8 = arith.constant 0 : i32
    %dma_start3A_9 = tpu.memref_slice %arg8[%dma_start3A, %dma_start3A_8] : memref<4x128xi32, #tpu.memory_space<vmem>> -> memref<1x128xi32, #tpu.memory_space<vmem>>
    %dma_start3A_10 = tpu.memref_squeeze %dma_start3A_9 : memref<1x128xi32, #tpu.memory_space<vmem>> -> memref<128xi32, #tpu.memory_space<vmem>>
    %dma_start3A_11 = arith.constant 0 : i32
    %dma_start3A_12 = arith.constant 0 : i32
    %dma_start3A_13 = tpu.memref_slice %arg4[%dma_start3A_11, %dma_start3A_12] : memref<253952x128xf32, #tpu.memory_space<hbm>> -> memref<253952x128xf32, #tpu.memory_space<hbm>>
    tpu.enqueue_indirect_dma source(%dma_start3A_13 : memref<253952x128xf32, #tpu.memory_space<hbm>>) target(%dma_start3A_7 : memref<128x128xf32, #tpu.memory_space<vmem>>) offsets(%dma_start3A_10 : memref<128xi32, #tpu.memory_space<vmem>>) semaphore(%arg11 : memref<!tpu.dma_semaphore, #tpu.memory_space<semaphore_mem>>)
    %dma_start3A_14 = arith.constant 1 : i32
    %dma_start3A_15 = arith.constant 128 : i32
    %dma_start3A_16 = arith.constant 0 : i32
    %dma_start3A_17 = tpu.memref_slice %arg10[%dma_start3A_15, %dma_start3A_16] : memref<512x128xf32, #tpu.memory_space<vmem>> -> memref<128x128xf32, #tpu.memory_space<vmem>>
    %dma_start3A_18 = arith.constant 0 : i32
    %dma_start3A_19 = tpu.memref_slice %arg8[%dma_start3A_14, %dma_start3A_18] : memref<4x128xi32, #tpu.memory_space<vmem>> -> memref<1x128xi32, #tpu.memory_space<vmem>>
    %dma_start3A_20 = tpu.memref_squeeze %dma_start3A_19 : memref<1x128xi32, #tpu.memory_space<vmem>> -> memref<128xi32, #tpu.memory_space<vmem>>
    %dma_start3A_21 = arith.constant 0 : i32
    %dma_start3A_22 = arith.constant 0 : i32
    %dma_start3A_23 = tpu.memref_slice %arg4[%dma_start3A_21, %dma_start3A_22] : memref<253952x128xf32, #tpu.memory_space<hbm>> -> memref<253952x128xf32, #tpu.memory_space<hbm>>
    tpu.enqueue_indirect_dma source(%dma_start3A_23 : memref<253952x128xf32, #tpu.memory_space<hbm>>) target(%dma_start3A_17 : memref<128x128xf32, #tpu.memory_space<vmem>>) offsets(%dma_start3A_20 : memref<128xi32, #tpu.memory_space<vmem>>) semaphore(%arg11 : memref<!tpu.dma_semaphore, #tpu.memory_space<semaphore_mem>>)
    %dma_start3A_24 = arith.constant 2 : i32
    %dma_start3A_25 = arith.constant 256 : i32
    %dma_start3A_26 = arith.constant 0 : i32
    %dma_start3A_27 = tpu.memref_slice %arg10[%dma_start3A_25, %dma_start3A_26] : memref<512x128xf32, #tpu.memory_space<vmem>> -> memref<128x128xf32, #tpu.memory_space<vmem>>
    %dma_start3A_28 = arith.constant 0 : i32
    %dma_start3A_29 = tpu.memref_slice %arg8[%dma_start3A_24, %dma_start3A_28] : memref<4x128xi32, #tpu.memory_space<vmem>> -> memref<1x128xi32, #tpu.memory_space<vmem>>
    %dma_start3A_30 = tpu.memref_squeeze %dma_start3A_29 : memref<1x128xi32, #tpu.memory_space<vmem>> -> memref<128xi32, #tpu.memory_space<vmem>>
    %dma_start3A_31 = arith.constant 0 : i32
    %dma_start3A_32 = arith.constant 0 : i32
    %dma_start3A_33 = tpu.memref_slice %arg4[%dma_start3A_31, %dma_start3A_32] : memref<253952x128xf32, #tpu.memory_space<hbm>> -> memref<253952x128xf32, #tpu.memory_space<hbm>>
    tpu.enqueue_indirect_dma source(%dma_start3A_33 : memref<253952x128xf32, #tpu.memory_space<hbm>>) target(%dma_start3A_27 : memref<128x128xf32, #tpu.memory_space<vmem>>) offsets(%dma_start3A_30 : memref<128xi32, #tpu.memory_space<vmem>>) semaphore(%arg11 : memref<!tpu.dma_semaphore, #tpu.memory_space<semaphore_mem>>)
    %dma_start3A_34 = arith.constant 3 : i32
    %dma_start3A_35 = arith.constant 384 : i32
    %dma_start3A_36 = arith.constant 0 : i32
    %dma_start3A_37 = tpu.memref_slice %arg10[%dma_start3A_35, %dma_start3A_36] : memref<512x128xf32, #tpu.memory_space<vmem>> -> memref<128x128xf32, #tpu.memory_space<vmem>>
    %dma_start3A_38 = arith.constant 0 : i32
    %dma_start3A_39 = tpu.memref_slice %arg8[%dma_start3A_34, %dma_start3A_38] : memref<4x128xi32, #tpu.memory_space<vmem>> -> memref<1x128xi32, #tpu.memory_space<vmem>>
    %dma_start3A_40 = tpu.memref_squeeze %dma_start3A_39 : memref<1x128xi32, #tpu.memory_space<vmem>> -> memref<128xi32, #tpu.memory_space<vmem>>
    %dma_start3A_41 = arith.constant 0 : i32
    %dma_start3A_42 = arith.constant 0 : i32
    %dma_start3A_43 = tpu.memref_slice %arg4[%dma_start3A_41, %dma_start3A_42] : memref<253952x128xf32, #tpu.memory_space<hbm>> -> memref<253952x128xf32, #tpu.memory_space<hbm>>
    tpu.enqueue_indirect_dma source(%dma_start3A_43 : memref<253952x128xf32, #tpu.memory_space<hbm>>) target(%dma_start3A_37 : memref<128x128xf32, #tpu.memory_space<vmem>>) offsets(%dma_start3A_40 : memref<128xi32, #tpu.memory_space<vmem>>) semaphore(%arg11 : memref<!tpu.dma_semaphore, #tpu.memory_space<semaphore_mem>>)
    %dma_wait3A = arith.constant 0 : i32
    %dma_wait3A_44 = arith.constant 0 : i32
    %dma_wait3A_45 = arith.constant 0 : i32
    %dma_wait3A_46 = tpu.memref_slice %arg10[%dma_wait3A_44, %dma_wait3A_45] : memref<512x128xf32, #tpu.memory_space<vmem>> -> memref<128x128xf32, #tpu.memory_space<vmem>>
    %dma_wait3A_47 = arith.constant 0 : i32
    %dma_wait3A_48 = tpu.memref_slice %arg8[%dma_wait3A, %dma_wait3A_47] : memref<4x128xi32, #tpu.memory_space<vmem>> -> memref<1x128xi32, #tpu.memory_space<vmem>>
    %dma_wait3A_49 = tpu.memref_squeeze %dma_wait3A_48 : memref<1x128xi32, #tpu.memory_space<vmem>> -> memref<128xi32, #tpu.memory_space<vmem>>
    %dma_wait3A_50 = arith.constant 0 : i32
    %dma_wait3A_51 = arith.constant 0 : i32
    %dma_wait3A_52 = tpu.memref_slice %arg4[%dma_wait3A_50, %dma_wait3A_51] : memref<253952x128xf32, #tpu.memory_space<hbm>> -> memref<253952x128xf32, #tpu.memory_space<hbm>>
    tpu.wait_indirect_dma semaphore(%arg11 : memref<!tpu.dma_semaphore, #tpu.memory_space<semaphore_mem>>) src(%dma_wait3A_52 : memref<253952x128xf32, #tpu.memory_space<hbm>>) dst(%dma_wait3A_46 : memref<128x128xf32, #tpu.memory_space<vmem>>)
    %dma_wait3A_53 = arith.constant 1 : i32
    %dma_wait3A_54 = arith.constant 128 : i32
    %dma_wait3A_55 = arith.constant 0 : i32
    %dma_wait3A_56 = tpu.memref_slice %arg10[%dma_wait3A_54, %dma_wait3A_55] : memref<512x128xf32, #tpu.memory_space<vmem>> -> memref<128x128xf32, #tpu.memory_space<vmem>>
    %dma_wait3A_57 = arith.constant 0 : i32
    %dma_wait3A_58 = tpu.memref_slice %arg8[%dma_wait3A_53, %dma_wait3A_57] : memref<4x128xi32, #tpu.memory_space<vmem>> -> memref<1x128xi32, #tpu.memory_space<vmem>>
    %dma_wait3A_59 = tpu.memref_squeeze %dma_wait3A_58 : memref<1x128xi32, #tpu.memory_space<vmem>> -> memref<128xi32, #tpu.memory_space<vmem>>
    %dma_wait3A_60 = arith.constant 0 : i32
    %dma_wait3A_61 = arith.constant 0 : i32
    %dma_wait3A_62 = tpu.memref_slice %arg4[%dma_wait3A_60, %dma_wait3A_61] : memref<253952x128xf32, #tpu.memory_space<hbm>> -> memref<253952x128xf32, #tpu.memory_space<hbm>>
    tpu.wait_indirect_dma semaphore(%arg11 : memref<!tpu.dma_semaphore, #tpu.memory_space<semaphore_mem>>) src(%dma_wait3A_62 : memref<253952x128xf32, #tpu.memory_space<hbm>>) dst(%dma_wait3A_56 : memref<128x128xf32, #tpu.memory_space<vmem>>)
    %dma_wait3A_63 = arith.constant 2 : i32
    %dma_wait3A_64 = arith.constant 256 : i32
    %dma_wait3A_65 = arith.constant 0 : i32
    %dma_wait3A_66 = tpu.memref_slice %arg10[%dma_wait3A_64, %dma_wait3A_65] : memref<512x128xf32, #tpu.memory_space<vmem>> -> memref<128x128xf32, #tpu.memory_space<vmem>>
    %dma_wait3A_67 = arith.constant 0 : i32
    %dma_wait3A_68 = tpu.memref_slice %arg8[%dma_wait3A_63, %dma_wait3A_67] : memref<4x128xi32, #tpu.memory_space<vmem>> -> memref<1x128xi32, #tpu.memory_space<vmem>>
    %dma_wait3A_69 = tpu.memref_squeeze %dma_wait3A_68 : memref<1x128xi32, #tpu.memory_space<vmem>> -> memref<128xi32, #tpu.memory_space<vmem>>
    %dma_wait3A_70 = arith.constant 0 : i32
    %dma_wait3A_71 = arith.constant 0 : i32
    %dma_wait3A_72 = tpu.memref_slice %arg4[%dma_wait3A_70, %dma_wait3A_71] : memref<253952x128xf32, #tpu.memory_space<hbm>> -> memref<253952x128xf32, #tpu.memory_space<hbm>>
    tpu.wait_indirect_dma semaphore(%arg11 : memref<!tpu.dma_semaphore, #tpu.memory_space<semaphore_mem>>) src(%dma_wait3A_72 : memref<253952x128xf32, #tpu.memory_space<hbm>>) dst(%dma_wait3A_66 : memref<128x128xf32, #tpu.memory_space<vmem>>)
    %dma_wait3A_73 = arith.constant 3 : i32
    %dma_wait3A_74 = arith.constant 384 : i32
    %dma_wait3A_75 = arith.constant 0 : i32
    %dma_wait3A_76 = tpu.memref_slice %arg10[%dma_wait3A_74, %dma_wait3A_75] : memref<512x128xf32, #tpu.memory_space<vmem>> -> memref<128x128xf32, #tpu.memory_space<vmem>>
    %dma_wait3A_77 = arith.constant 0 : i32
    %dma_wait3A_78 = tpu.memref_slice %arg8[%dma_wait3A_73, %dma_wait3A_77] : memref<4x128xi32, #tpu.memory_space<vmem>> -> memref<1x128xi32, #tpu.memory_space<vmem>>
    %dma_wait3A_79 = tpu.memref_squeeze %dma_wait3A_78 : memref<1x128xi32, #tpu.memory_space<vmem>> -> memref<128xi32, #tpu.memory_space<vmem>>
    %dma_wait3A_80 = arith.constant 0 : i32
    %dma_wait3A_81 = arith.constant 0 : i32
    %dma_wait3A_82 = tpu.memref_slice %arg4[%dma_wait3A_80, %dma_wait3A_81] : memref<253952x128xf32, #tpu.memory_space<hbm>> -> memref<253952x128xf32, #tpu.memory_space<hbm>>
    tpu.wait_indirect_dma semaphore(%arg11 : memref<!tpu.dma_semaphore, #tpu.memory_space<semaphore_mem>>) src(%dma_wait3A_82 : memref<253952x128xf32, #tpu.memory_space<hbm>>) dst(%dma_wait3A_76 : memref<128x128xf32, #tpu.memory_space<vmem>>)
    "tpu.region"() ({
      %run_scoped3A = tpu.sem_alloc : memref<!tpu.dma_semaphore, #tpu.memory_space<semaphore_mem>>
      %dma_start3A_163 = arith.constant 0 : i32
      %dma_start3A_164 = tpu.memref_slice %arg6[%mul3A_4, %dma_start3A_163] : memref<16384x128xf32, #tpu.memory_space<hbm>> -> memref<512x128xf32, #tpu.memory_space<hbm>>
      %dma_start3A_165 = arith.constant 0 : i32
      %dma_start3A_166 = tpu.memref_slice %arg6[%mul3A_4, %dma_start3A_165] : memref<16384x128xf32, #tpu.memory_space<hbm>> -> memref<512x128xf32, #tpu.memory_space<hbm>>
      tpu.enqueue_dma source(%arg10 : memref<512x128xf32, #tpu.memory_space<vmem>>) target(%dma_start3A_166 : memref<512x128xf32, #tpu.memory_space<hbm>>) target_semaphore(%run_scoped3A : memref<!tpu.dma_semaphore, #tpu.memory_space<semaphore_mem>>)
      %dma_wait3A_167 = arith.constant 0 : i32
      %dma_wait3A_168 = tpu.memref_slice %arg6[%mul3A_4, %dma_wait3A_167] : memref<16384x128xf32, #tpu.memory_space<hbm>> -> memref<512x128xf32, #tpu.memory_space<hbm>>
      %dma_wait3A_169 = arith.constant 0 : i32
      %dma_wait3A_170 = tpu.memref_slice %arg6[%mul3A_4, %dma_wait3A_169] : memref<16384x128xf32, #tpu.memory_space<hbm>> -> memref<512x128xf32, #tpu.memory_space<hbm>>
      tpu.wait_dma2 semaphore(%run_scoped3A : memref<!tpu.dma_semaphore, #tpu.memory_space<semaphore_mem>>) src(%arg10 : memref<512x128xf32, #tpu.memory_space<vmem>>) dst(%dma_wait3A_170 : memref<512x128xf32, #tpu.memory_space<hbm>>)
      tpu.yield
    }) : () -> ()
    %dma_start3A_83 = arith.constant 0 : i32
    %dma_start3A_84 = arith.constant 0 : i32
    %dma_start3A_85 = arith.constant 0 : i32
    %dma_start3A_86 = tpu.memref_slice %arg10[%dma_start3A_84, %dma_start3A_85] : memref<512x128xf32, #tpu.memory_space<vmem>> -> memref<128x128xf32, #tpu.memory_space<vmem>>
    %dma_start3A_87 = arith.constant 0 : i32
    %dma_start3A_88 = tpu.memref_slice %arg9[%dma_start3A_83, %dma_start3A_87] : memref<4x128xi32, #tpu.memory_space<vmem>> -> memref<1x128xi32, #tpu.memory_space<vmem>>
    %dma_start3A_89 = tpu.memref_squeeze %dma_start3A_88 : memref<1x128xi32, #tpu.memory_space<vmem>> -> memref<128xi32, #tpu.memory_space<vmem>>
    %dma_start3A_90 = arith.constant 0 : i32
    %dma_start3A_91 = arith.constant 0 : i32
    %dma_start3A_92 = tpu.memref_slice %arg5[%dma_start3A_90, %dma_start3A_91] : memref<253952x128xf32, #tpu.memory_space<hbm>> -> memref<253952x128xf32, #tpu.memory_space<hbm>>
    tpu.enqueue_indirect_dma source(%dma_start3A_92 : memref<253952x128xf32, #tpu.memory_space<hbm>>) target(%dma_start3A_86 : memref<128x128xf32, #tpu.memory_space<vmem>>) offsets(%dma_start3A_89 : memref<128xi32, #tpu.memory_space<vmem>>) semaphore(%arg11 : memref<!tpu.dma_semaphore, #tpu.memory_space<semaphore_mem>>)
    %dma_start3A_93 = arith.constant 1 : i32
    %dma_start3A_94 = arith.constant 128 : i32
    %dma_start3A_95 = arith.constant 0 : i32
    %dma_start3A_96 = tpu.memref_slice %arg10[%dma_start3A_94, %dma_start3A_95] : memref<512x128xf32, #tpu.memory_space<vmem>> -> memref<128x128xf32, #tpu.memory_space<vmem>>
    %dma_start3A_97 = arith.constant 0 : i32
    %dma_start3A_98 = tpu.memref_slice %arg9[%dma_start3A_93, %dma_start3A_97] : memref<4x128xi32, #tpu.memory_space<vmem>> -> memref<1x128xi32, #tpu.memory_space<vmem>>
    %dma_start3A_99 = tpu.memref_squeeze %dma_start3A_98 : memref<1x128xi32, #tpu.memory_space<vmem>> -> memref<128xi32, #tpu.memory_space<vmem>>
    %dma_start3A_100 = arith.constant 0 : i32
    %dma_start3A_101 = arith.constant 0 : i32
    %dma_start3A_102 = tpu.memref_slice %arg5[%dma_start3A_100, %dma_start3A_101] : memref<253952x128xf32, #tpu.memory_space<hbm>> -> memref<253952x128xf32, #tpu.memory_space<hbm>>
    tpu.enqueue_indirect_dma source(%dma_start3A_102 : memref<253952x128xf32, #tpu.memory_space<hbm>>) target(%dma_start3A_96 : memref<128x128xf32, #tpu.memory_space<vmem>>) offsets(%dma_start3A_99 : memref<128xi32, #tpu.memory_space<vmem>>) semaphore(%arg11 : memref<!tpu.dma_semaphore, #tpu.memory_space<semaphore_mem>>)
    %dma_start3A_103 = arith.constant 2 : i32
    %dma_start3A_104 = arith.constant 256 : i32
    %dma_start3A_105 = arith.constant 0 : i32
    %dma_start3A_106 = tpu.memref_slice %arg10[%dma_start3A_104, %dma_start3A_105] : memref<512x128xf32, #tpu.memory_space<vmem>> -> memref<128x128xf32, #tpu.memory_space<vmem>>
    %dma_start3A_107 = arith.constant 0 : i32
    %dma_start3A_108 = tpu.memref_slice %arg9[%dma_start3A_103, %dma_start3A_107] : memref<4x128xi32, #tpu.memory_space<vmem>> -> memref<1x128xi32, #tpu.memory_space<vmem>>
    %dma_start3A_109 = tpu.memref_squeeze %dma_start3A_108 : memref<1x128xi32, #tpu.memory_space<vmem>> -> memref<128xi32, #tpu.memory_space<vmem>>
    %dma_start3A_110 = arith.constant 0 : i32
    %dma_start3A_111 = arith.constant 0 : i32
    %dma_start3A_112 = tpu.memref_slice %arg5[%dma_start3A_110, %dma_start3A_111] : memref<253952x128xf32, #tpu.memory_space<hbm>> -> memref<253952x128xf32, #tpu.memory_space<hbm>>
    tpu.enqueue_indirect_dma source(%dma_start3A_112 : memref<253952x128xf32, #tpu.memory_space<hbm>>) target(%dma_start3A_106 : memref<128x128xf32, #tpu.memory_space<vmem>>) offsets(%dma_start3A_109 : memref<128xi32, #tpu.memory_space<vmem>>) semaphore(%arg11 : memref<!tpu.dma_semaphore, #tpu.memory_space<semaphore_mem>>)
    %dma_start3A_113 = arith.constant 3 : i32
    %dma_start3A_114 = arith.constant 384 : i32
    %dma_start3A_115 = arith.constant 0 : i32
    %dma_start3A_116 = tpu.memref_slice %arg10[%dma_start3A_114, %dma_start3A_115] : memref<512x128xf32, #tpu.memory_space<vmem>> -> memref<128x128xf32, #tpu.memory_space<vmem>>
    %dma_start3A_117 = arith.constant 0 : i32
    %dma_start3A_118 = tpu.memref_slice %arg9[%dma_start3A_113, %dma_start3A_117] : memref<4x128xi32, #tpu.memory_space<vmem>> -> memref<1x128xi32, #tpu.memory_space<vmem>>
    %dma_start3A_119 = tpu.memref_squeeze %dma_start3A_118 : memref<1x128xi32, #tpu.memory_space<vmem>> -> memref<128xi32, #tpu.memory_space<vmem>>
    %dma_start3A_120 = arith.constant 0 : i32
    %dma_start3A_121 = arith.constant 0 : i32
    %dma_start3A_122 = tpu.memref_slice %arg5[%dma_start3A_120, %dma_start3A_121] : memref<253952x128xf32, #tpu.memory_space<hbm>> -> memref<253952x128xf32, #tpu.memory_space<hbm>>
    tpu.enqueue_indirect_dma source(%dma_start3A_122 : memref<253952x128xf32, #tpu.memory_space<hbm>>) target(%dma_start3A_116 : memref<128x128xf32, #tpu.memory_space<vmem>>) offsets(%dma_start3A_119 : memref<128xi32, #tpu.memory_space<vmem>>) semaphore(%arg11 : memref<!tpu.dma_semaphore, #tpu.memory_space<semaphore_mem>>)
    %dma_wait3A_123 = arith.constant 0 : i32
    %dma_wait3A_124 = arith.constant 0 : i32
    %dma_wait3A_125 = arith.constant 0 : i32
    %dma_wait3A_126 = tpu.memref_slice %arg10[%dma_wait3A_124, %dma_wait3A_125] : memref<512x128xf32, #tpu.memory_space<vmem>> -> memref<128x128xf32, #tpu.memory_space<vmem>>
    %dma_wait3A_127 = arith.constant 0 : i32
    %dma_wait3A_128 = tpu.memref_slice %arg9[%dma_wait3A_123, %dma_wait3A_127] : memref<4x128xi32, #tpu.memory_space<vmem>> -> memref<1x128xi32, #tpu.memory_space<vmem>>
    %dma_wait3A_129 = tpu.memref_squeeze %dma_wait3A_128 : memref<1x128xi32, #tpu.memory_space<vmem>> -> memref<128xi32, #tpu.memory_space<vmem>>
    %dma_wait3A_130 = arith.constant 0 : i32
    %dma_wait3A_131 = arith.constant 0 : i32
    %dma_wait3A_132 = tpu.memref_slice %arg5[%dma_wait3A_130, %dma_wait3A_131] : memref<253952x128xf32, #tpu.memory_space<hbm>> -> memref<253952x128xf32, #tpu.memory_space<hbm>>
    tpu.wait_indirect_dma semaphore(%arg11 : memref<!tpu.dma_semaphore, #tpu.memory_space<semaphore_mem>>) src(%dma_wait3A_132 : memref<253952x128xf32, #tpu.memory_space<hbm>>) dst(%dma_wait3A_126 : memref<128x128xf32, #tpu.memory_space<vmem>>)
    %dma_wait3A_133 = arith.constant 1 : i32
    %dma_wait3A_134 = arith.constant 128 : i32
    %dma_wait3A_135 = arith.constant 0 : i32
    %dma_wait3A_136 = tpu.memref_slice %arg10[%dma_wait3A_134, %dma_wait3A_135] : memref<512x128xf32, #tpu.memory_space<vmem>> -> memref<128x128xf32, #tpu.memory_space<vmem>>
    %dma_wait3A_137 = arith.constant 0 : i32
    %dma_wait3A_138 = tpu.memref_slice %arg9[%dma_wait3A_133, %dma_wait3A_137] : memref<4x128xi32, #tpu.memory_space<vmem>> -> memref<1x128xi32, #tpu.memory_space<vmem>>
    %dma_wait3A_139 = tpu.memref_squeeze %dma_wait3A_138 : memref<1x128xi32, #tpu.memory_space<vmem>> -> memref<128xi32, #tpu.memory_space<vmem>>
    %dma_wait3A_140 = arith.constant 0 : i32
    %dma_wait3A_141 = arith.constant 0 : i32
    %dma_wait3A_142 = tpu.memref_slice %arg5[%dma_wait3A_140, %dma_wait3A_141] : memref<253952x128xf32, #tpu.memory_space<hbm>> -> memref<253952x128xf32, #tpu.memory_space<hbm>>
    tpu.wait_indirect_dma semaphore(%arg11 : memref<!tpu.dma_semaphore, #tpu.memory_space<semaphore_mem>>) src(%dma_wait3A_142 : memref<253952x128xf32, #tpu.memory_space<hbm>>) dst(%dma_wait3A_136 : memref<128x128xf32, #tpu.memory_space<vmem>>)
    %dma_wait3A_143 = arith.constant 2 : i32
    %dma_wait3A_144 = arith.constant 256 : i32
    %dma_wait3A_145 = arith.constant 0 : i32
    %dma_wait3A_146 = tpu.memref_slice %arg10[%dma_wait3A_144, %dma_wait3A_145] : memref<512x128xf32, #tpu.memory_space<vmem>> -> memref<128x128xf32, #tpu.memory_space<vmem>>
    %dma_wait3A_147 = arith.constant 0 : i32
    %dma_wait3A_148 = tpu.memref_slice %arg9[%dma_wait3A_143, %dma_wait3A_147] : memref<4x128xi32, #tpu.memory_space<vmem>> -> memref<1x128xi32, #tpu.memory_space<vmem>>
    %dma_wait3A_149 = tpu.memref_squeeze %dma_wait3A_148 : memref<1x128xi32, #tpu.memory_space<vmem>> -> memref<128xi32, #tpu.memory_space<vmem>>
    %dma_wait3A_150 = arith.constant 0 : i32
    %dma_wait3A_151 = arith.constant 0 : i32
    %dma_wait3A_152 = tpu.memref_slice %arg5[%dma_wait3A_150, %dma_wait3A_151] : memref<253952x128xf32, #tpu.memory_space<hbm>> -> memref<253952x128xf32, #tpu.memory_space<hbm>>
    tpu.wait_indirect_dma semaphore(%arg11 : memref<!tpu.dma_semaphore, #tpu.memory_space<semaphore_mem>>) src(%dma_wait3A_152 : memref<253952x128xf32, #tpu.memory_space<hbm>>) dst(%dma_wait3A_146 : memref<128x128xf32, #tpu.memory_space<vmem>>)
    %dma_wait3A_153 = arith.constant 3 : i32
    %dma_wait3A_154 = arith.constant 384 : i32
    %dma_wait3A_155 = arith.constant 0 : i32
    %dma_wait3A_156 = tpu.memref_slice %arg10[%dma_wait3A_154, %dma_wait3A_155] : memref<512x128xf32, #tpu.memory_space<vmem>> -> memref<128x128xf32, #tpu.memory_space<vmem>>
    %dma_wait3A_157 = arith.constant 0 : i32
    %dma_wait3A_158 = tpu.memref_slice %arg9[%dma_wait3A_153, %dma_wait3A_157] : memref<4x128xi32, #tpu.memory_space<vmem>> -> memref<1x128xi32, #tpu.memory_space<vmem>>
    %dma_wait3A_159 = tpu.memref_squeeze %dma_wait3A_158 : memref<1x128xi32, #tpu.memory_space<vmem>> -> memref<128xi32, #tpu.memory_space<vmem>>
    %dma_wait3A_160 = arith.constant 0 : i32
    %dma_wait3A_161 = arith.constant 0 : i32
    %dma_wait3A_162 = tpu.memref_slice %arg5[%dma_wait3A_160, %dma_wait3A_161] : memref<253952x128xf32, #tpu.memory_space<hbm>> -> memref<253952x128xf32, #tpu.memory_space<hbm>>
    tpu.wait_indirect_dma semaphore(%arg11 : memref<!tpu.dma_semaphore, #tpu.memory_space<semaphore_mem>>) src(%dma_wait3A_162 : memref<253952x128xf32, #tpu.memory_space<hbm>>) dst(%dma_wait3A_156 : memref<128x128xf32, #tpu.memory_space<vmem>>)
    "tpu.region"() ({
      %run_scoped3A = tpu.sem_alloc : memref<!tpu.dma_semaphore, #tpu.memory_space<semaphore_mem>>
      %dma_start3A_163 = arith.constant 0 : i32
      %dma_start3A_164 = tpu.memref_slice %arg7[%mul3A_4, %dma_start3A_163] : memref<16384x128xf32, #tpu.memory_space<hbm>> -> memref<512x128xf32, #tpu.memory_space<hbm>>
      %dma_start3A_165 = arith.constant 0 : i32
      %dma_start3A_166 = tpu.memref_slice %arg7[%mul3A_4, %dma_start3A_165] : memref<16384x128xf32, #tpu.memory_space<hbm>> -> memref<512x128xf32, #tpu.memory_space<hbm>>
      tpu.enqueue_dma source(%arg10 : memref<512x128xf32, #tpu.memory_space<vmem>>) target(%dma_start3A_166 : memref<512x128xf32, #tpu.memory_space<hbm>>) target_semaphore(%run_scoped3A : memref<!tpu.dma_semaphore, #tpu.memory_space<semaphore_mem>>)
      %dma_wait3A_167 = arith.constant 0 : i32
      %dma_wait3A_168 = tpu.memref_slice %arg7[%mul3A_4, %dma_wait3A_167] : memref<16384x128xf32, #tpu.memory_space<hbm>> -> memref<512x128xf32, #tpu.memory_space<hbm>>
      %dma_wait3A_169 = arith.constant 0 : i32
      %dma_wait3A_170 = tpu.memref_slice %arg7[%mul3A_4, %dma_wait3A_169] : memref<16384x128xf32, #tpu.memory_space<hbm>> -> memref<512x128xf32, #tpu.memory_space<hbm>>
      tpu.wait_dma2 semaphore(%run_scoped3A : memref<!tpu.dma_semaphore, #tpu.memory_space<semaphore_mem>>) src(%arg10 : memref<512x128xf32, #tpu.memory_space<vmem>>) dst(%dma_wait3A_170 : memref<512x128xf32, #tpu.memory_space<hbm>>)
      tpu.yield
    }) : () -> ()
    return
  }
}

module attributes {stable_mosaic.version = 14 : i64} {
  func.func @_relayout_body(%arg0: i32, %arg1: memref<64x32768xf32, #tpu.memory_space<vmem>>, %arg2: memref<8192x128xf32, #tpu.memory_space<vmem>>) attributes {dimension_semantics = [#tpu.dimension_semantics<arbitrary>], iteration_bounds = array<i64: 31>, scalar_prefetch = 0 : i64, scratch_operands = 0 : i64, tpu.core_type = #tpu.core_type<tc>, window_params = [{transform_indices = @transform_0, window_bounds = array<i64: 64, 32768>}, {transform_indices = @transform_1, window_bounds = array<i64: 8192, 128>}]} {
    %get3A = arith.constant 0 : index
    %get3A_0 = arith.constant 0 : index
    %get3A_1 = vector.load %arg1[%get3A, %get3A_0] : memref<64x32768xf32, #tpu.memory_space<vmem>>, vector<64x32768xf32>
    %slice3A = vector.extract_strided_slice %get3A_1 {offsets = [0, 0], sizes = [64, 8192], strides = [1, 1]} : vector<64x32768xf32> to vector<64x8192xf32>
    %slice3A_2 = vector.extract_strided_slice %get3A_1 {offsets = [0, 8192], sizes = [64, 8192], strides = [1, 1]} : vector<64x32768xf32> to vector<64x8192xf32>
    %convert_element_type3A = arith.truncf %slice3A : vector<64x8192xf32> to vector<64x8192xbf16>
    %bitcast_convert_type3A = tpu.bitcast %convert_element_type3A : vector<64x8192xbf16> -> vector<64x8192xi16>
    %convert_element_type3A_3 = arith.truncf %slice3A_2 : vector<64x8192xf32> to vector<64x8192xbf16>
    %bitcast_convert_type3A_4 = tpu.bitcast %convert_element_type3A_3 : vector<64x8192xbf16> -> vector<64x8192xi16>
    %convert_element_type3A_5 = arith.extui %bitcast_convert_type3A : vector<64x8192xi16> to vector<64x8192xi32>
    %shift_left3A = arith.constant 16 : i32
    %shift_left3A_6 = vector.broadcast %shift_left3A : i32 to vector<64x8192xi32>
    %shift_left3A_7 = arith.shli %convert_element_type3A_5, %shift_left3A_6 : vector<64x8192xi32>
    %convert_element_type3A_8 = arith.extui %bitcast_convert_type3A_4 : vector<64x8192xi16> to vector<64x8192xi32>
    %or3A = arith.ori %shift_left3A_7, %convert_element_type3A_8 : vector<64x8192xi32>
    %bitcast_convert_type3A_9 = tpu.bitcast %or3A : vector<64x8192xi32> -> vector<64x8192xf32>
    %slice3A_10 = vector.extract_strided_slice %get3A_1 {offsets = [0, 16384], sizes = [64, 8192], strides = [1, 1]} : vector<64x32768xf32> to vector<64x8192xf32>
    %slice3A_11 = vector.extract_strided_slice %get3A_1 {offsets = [0, 24576], sizes = [64, 8192], strides = [1, 1]} : vector<64x32768xf32> to vector<64x8192xf32>
    %convert_element_type3A_12 = arith.truncf %slice3A_10 : vector<64x8192xf32> to vector<64x8192xbf16>
    %bitcast_convert_type3A_13 = tpu.bitcast %convert_element_type3A_12 : vector<64x8192xbf16> -> vector<64x8192xi16>
    %convert_element_type3A_14 = arith.truncf %slice3A_11 : vector<64x8192xf32> to vector<64x8192xbf16>
    %bitcast_convert_type3A_15 = tpu.bitcast %convert_element_type3A_14 : vector<64x8192xbf16> -> vector<64x8192xi16>
    %convert_element_type3A_16 = arith.extui %bitcast_convert_type3A_13 : vector<64x8192xi16> to vector<64x8192xi32>
    %shift_left3A_17 = arith.constant 16 : i32
    %shift_left3A_18 = vector.broadcast %shift_left3A_17 : i32 to vector<64x8192xi32>
    %shift_left3A_19 = arith.shli %convert_element_type3A_16, %shift_left3A_18 : vector<64x8192xi32>
    %convert_element_type3A_20 = arith.extui %bitcast_convert_type3A_15 : vector<64x8192xi16> to vector<64x8192xi32>
    %or3A_21 = arith.ori %shift_left3A_19, %convert_element_type3A_20 : vector<64x8192xi32>
    %bitcast_convert_type3A_22 = tpu.bitcast %or3A_21 : vector<64x8192xi32> -> vector<64x8192xf32>
    %transpose3A = tpu.transpose %bitcast_convert_type3A_9, [1, 0] : vector<64x8192xf32> -> vector<8192x64xf32>
    %swap3A = arith.constant 0 : index
    %swap3A_23 = arith.constant 0 : index
    %swap3A_24 = vector.load %arg2[%swap3A, %swap3A_23] : memref<8192x128xf32, #tpu.memory_space<vmem>>, vector<8192x64xf32>
    tpu.vector_store %arg2[%swap3A, %swap3A_23], %transpose3A {strides = array<i32>} : memref<8192x128xf32, #tpu.memory_space<vmem>>, vector<8192x64xf32>,
    %transpose3A_25 = tpu.transpose %bitcast_convert_type3A_22, [1, 0] : vector<64x8192xf32> -> vector<8192x64xf32>
    %swap3A_26 = arith.constant 0 : index
    %swap3A_27 = arith.constant 64 : index
    %swap3A_28 = vector.load %arg2[%swap3A_26, %swap3A_27] : memref<8192x128xf32, #tpu.memory_space<vmem>>, vector<8192x64xf32>
    tpu.vector_store %arg2[%swap3A_26, %swap3A_27], %transpose3A_25 {strides = array<i32>} : memref<8192x128xf32, #tpu.memory_space<vmem>>, vector<8192x64xf32>,
    return
  }
  func.func @transform_0(%arg0: i32) -> (i32, i32) {
    %c0_i32 = arith.constant 0 : i32
    %c0_i32_0 = arith.constant 0 : i32
    return %c0_i32, %arg0 : i32, i32
  }
  func.func @transform_1(%arg0: i32) -> (i32, i32) {
    %c0_i32 = arith.constant 0 : i32
    %c0_i32_0 = arith.constant 0 : i32
    return %arg0, %c0_i32 : i32, i32
  }
}

module attributes {stable_mosaic.version = 14 : i64} {
  func.func @_mlp_body(%arg0: i32, %arg1: memref<2048x128xf32, #tpu.memory_space<vmem>>, %arg2: memref<2048x128xf32, #tpu.memory_space<vmem>>, %arg3: memref<2048x8xi32, #tpu.memory_space<vmem>>, %arg4: memref<2048x8xi32, #tpu.memory_space<vmem>>, %arg5: memref<64x384xf32, #tpu.memory_space<vmem>>, %arg6: memref<64x384xf32, #tpu.memory_space<vmem>>, %arg7: memref<8x384xf32, #tpu.memory_space<vmem>>, %arg8: memref<384x8xf32, #tpu.memory_space<vmem>>, %arg9: memref<8x8xf32, #tpu.memory_space<vmem>>, %arg10: memref<2048x8xf32, #tpu.memory_space<vmem>>) attributes {dimension_semantics = [#tpu.dimension_semantics<arbitrary>], iteration_bounds = array<i64: 8>, scalar_prefetch = 0 : i64, scratch_operands = 0 : i64, tpu.core_type = #tpu.core_type<tc>, window_params = [{transform_indices = @transform_0, window_bounds = array<i64: 2048, 128>}, {transform_indices = @transform_1, window_bounds = array<i64: 2048, 128>}, {transform_indices = @transform_2, window_bounds = array<i64: 2048, 8>}, {transform_indices = @transform_3, window_bounds = array<i64: 2048, 8>}, {pipeline_mode = #tpu.pipeline_mode<synchronous>, transform_indices = @transform_4, window_bounds = array<i64: 64, 384>}, {pipeline_mode = #tpu.pipeline_mode<synchronous>, transform_indices = @transform_5, window_bounds = array<i64: 64, 384>}, {pipeline_mode = #tpu.pipeline_mode<synchronous>, transform_indices = @transform_6, window_bounds = array<i64: 8, 384>}, {pipeline_mode = #tpu.pipeline_mode<synchronous>, transform_indices = @transform_7, window_bounds = array<i64: 384, 8>}, {pipeline_mode = #tpu.pipeline_mode<synchronous>, transform_indices = @transform_8, window_bounds = array<i64: 8, 8>}, {transform_indices = @transform_9, window_bounds = array<i64: 2048, 8>}]} {
    %get3A = arith.constant 0 : index
    %get3A_0 = arith.constant 0 : index
    %get3A_1 = vector.load %arg3[%get3A, %get3A_0] : memref<2048x8xi32, #tpu.memory_space<vmem>>, vector<2048x1xi32>
    %get3A_2 = arith.constant 0 : index
    %get3A_3 = arith.constant 0 : index
    %get3A_4 = vector.load %arg4[%get3A_2, %get3A_3] : memref<2048x8xi32, #tpu.memory_space<vmem>>, vector<2048x1xi32>
    %get3A_5 = arith.constant 0 : index
    %get3A_6 = arith.constant 0 : index
    %get3A_7 = vector.load %arg1[%get3A_5, %get3A_6] : memref<2048x128xf32, #tpu.memory_space<vmem>>, vector<2048x128xf32>
    %and3A = arith.constant 2 : i32
    %and3A_8 = vector.broadcast %and3A : i32 to vector<2048x1xi32>
    %and3A_9 = arith.andi %get3A_1, %and3A_8 : vector<2048x1xi32>
    %and3A_10 = arith.constant 1 : i32
    %and3A_11 = vector.broadcast %and3A_10 : i32 to vector<2048x1xi32>
    %and3A_12 = arith.andi %get3A_1, %and3A_11 : vector<2048x1xi32>
    %sub3A = arith.constant 1 : i32
    %sub3A_13 = vector.broadcast %sub3A : i32 to vector<2048x1xi32>
    %sub3A_14 = arith.subi %sub3A_13, %and3A_12 : vector<2048x1xi32>
    %gt3A = arith.constant 0 : i32
    %gt3A_15 = vector.broadcast %gt3A : i32 to vector<2048x1xi32>
    %gt3A_16 = arith.cmpi sgt, %and3A_9, %gt3A_15 : vector<2048x1xi32>
    %slice3A = vector.extract_strided_slice %get3A_7 {offsets = [0, 64], sizes = [2048, 64], strides = [1, 1]} : vector<2048x128xf32> to vector<2048x64xf32>
    %slice3A_17 = vector.extract_strided_slice %get3A_7 {offsets = [0, 0], sizes = [2048, 64], strides = [1, 1]} : vector<2048x128xf32> to vector<2048x64xf32>
    %broadcast_in_dim3A = vector.shape_cast %gt3A_16 : vector<2048x1xi1> to vector<2048x1xi1>
    %broadcast_in_dim3A_18 = vector.broadcast %broadcast_in_dim3A : vector<2048x1xi1> to vector<2048x64xi1>
    %select_n3A = arith.select %broadcast_in_dim3A_18, %slice3A, %slice3A_17 : vector<2048x64xi1>, vector<2048x64xf32>
    %bitcast_convert_type3A = tpu.bitcast %select_n3A : vector<2048x64xf32> -> vector<2048x64xi32>
    %gt3A_19 = arith.constant 0 : i32
    %gt3A_20 = vector.broadcast %gt3A_19 : i32 to vector<2048x1xi32>
    %gt3A_21 = arith.cmpi sgt, %sub3A_14, %gt3A_20 : vector<2048x1xi32>
    %and3A_22 = arith.constant -65536 : i32
    %and3A_23 = vector.broadcast %and3A_22 : i32 to vector<2048x64xi32>
    %and3A_24 = arith.andi %bitcast_convert_type3A, %and3A_23 : vector<2048x64xi32>
    %shift_left3A = arith.constant 16 : i32
    %shift_left3A_25 = vector.broadcast %shift_left3A : i32 to vector<2048x64xi32>
    %shift_left3A_26 = arith.shli %bitcast_convert_type3A, %shift_left3A_25 : vector<2048x64xi32>
    %broadcast_in_dim3A_27 = vector.shape_cast %gt3A_21 : vector<2048x1xi1> to vector<2048x1xi1>
    %broadcast_in_dim3A_28 = vector.broadcast %broadcast_in_dim3A_27 : vector<2048x1xi1> to vector<2048x64xi1>
    %select_n3A_29 = arith.select %broadcast_in_dim3A_28, %and3A_24, %shift_left3A_26 : vector<2048x64xi1>, vector<2048x64xi32>
    %bitcast_convert_type3A_30 = tpu.bitcast %select_n3A_29 : vector<2048x64xi32> -> vector<2048x64xf32>
    %get3A_31 = arith.constant 0 : index
    %get3A_32 = arith.constant 0 : index
    %get3A_33 = vector.load %arg2[%get3A_31, %get3A_32] : memref<2048x128xf32, #tpu.memory_space<vmem>>, vector<2048x128xf32>
    %and3A_34 = arith.constant 2 : i32
    %and3A_35 = vector.broadcast %and3A_34 : i32 to vector<2048x1xi32>
    %and3A_36 = arith.andi %get3A_4, %and3A_35 : vector<2048x1xi32>
    %and3A_37 = arith.constant 1 : i32
    %and3A_38 = vector.broadcast %and3A_37 : i32 to vector<2048x1xi32>
    %and3A_39 = arith.andi %get3A_4, %and3A_38 : vector<2048x1xi32>
    %sub3A_40 = arith.constant 1 : i32
    %sub3A_41 = vector.broadcast %sub3A_40 : i32 to vector<2048x1xi32>
    %sub3A_42 = arith.subi %sub3A_41, %and3A_39 : vector<2048x1xi32>
    %gt3A_43 = arith.constant 0 : i32
    %gt3A_44 = vector.broadcast %gt3A_43 : i32 to vector<2048x1xi32>
    %gt3A_45 = arith.cmpi sgt, %and3A_36, %gt3A_44 : vector<2048x1xi32>
    %slice3A_46 = vector.extract_strided_slice %get3A_33 {offsets = [0, 64], sizes = [2048, 64], strides = [1, 1]} : vector<2048x128xf32> to vector<2048x64xf32>
    %slice3A_47 = vector.extract_strided_slice %get3A_33 {offsets = [0, 0], sizes = [2048, 64], strides = [1, 1]} : vector<2048x128xf32> to vector<2048x64xf32>
    %broadcast_in_dim3A_48 = vector.shape_cast %gt3A_45 : vector<2048x1xi1> to vector<2048x1xi1>
    %broadcast_in_dim3A_49 = vector.broadcast %broadcast_in_dim3A_48 : vector<2048x1xi1> to vector<2048x64xi1>
    %select_n3A_50 = arith.select %broadcast_in_dim3A_49, %slice3A_46, %slice3A_47 : vector<2048x64xi1>, vector<2048x64xf32>
    %bitcast_convert_type3A_51 = tpu.bitcast %select_n3A_50 : vector<2048x64xf32> -> vector<2048x64xi32>
    %gt3A_52 = arith.constant 0 : i32
    %gt3A_53 = vector.broadcast %gt3A_52 : i32 to vector<2048x1xi32>
    %gt3A_54 = arith.cmpi sgt, %sub3A_42, %gt3A_53 : vector<2048x1xi32>
    %and3A_55 = arith.constant -65536 : i32
    %and3A_56 = vector.broadcast %and3A_55 : i32 to vector<2048x64xi32>
    %and3A_57 = arith.andi %bitcast_convert_type3A_51, %and3A_56 : vector<2048x64xi32>
    %shift_left3A_58 = arith.constant 16 : i32
    %shift_left3A_59 = vector.broadcast %shift_left3A_58 : i32 to vector<2048x64xi32>
    %shift_left3A_60 = arith.shli %bitcast_convert_type3A_51, %shift_left3A_59 : vector<2048x64xi32>
    %broadcast_in_dim3A_61 = vector.shape_cast %gt3A_54 : vector<2048x1xi1> to vector<2048x1xi1>
    %broadcast_in_dim3A_62 = vector.broadcast %broadcast_in_dim3A_61 : vector<2048x1xi1> to vector<2048x64xi1>
    %select_n3A_63 = arith.select %broadcast_in_dim3A_62, %and3A_57, %shift_left3A_60 : vector<2048x64xi1>, vector<2048x64xi32>
    %bitcast_convert_type3A_64 = tpu.bitcast %select_n3A_63 : vector<2048x64xi32> -> vector<2048x64xf32>
    %get3A_65 = arith.constant 0 : index
    %get3A_66 = arith.constant 0 : index
    %get3A_67 = vector.load %arg5[%get3A_65, %get3A_66] : memref<64x384xf32, #tpu.memory_space<vmem>>, vector<64x384xf32>
    %dot_general3A = arith.constant dense<0.000000e+00> : vector<2048x384xf32>
    %dot_general3A_68 = tpu.matmul %bitcast_convert_type3A_30, %get3A_67, %dot_general3A {dimension_numbers = #tpu.dot_dimension_numbers<[1], [0], [0], [1], [0, 0, 1, 1], [], []>, transpose_lhs_hint = false} : vector<2048x64xf32>, vector<64x384xf32>, vector<2048x384xf32> -> vector<2048x384xf32>
    %get3A_69 = arith.constant 0 : index
    %get3A_70 = arith.constant 0 : index
    %get3A_71 = vector.load %arg6[%get3A_69, %get3A_70] : memref<64x384xf32, #tpu.memory_space<vmem>>, vector<64x384xf32>
    %dot_general3A_72 = arith.constant dense<0.000000e+00> : vector<2048x384xf32>
    %dot_general3A_73 = tpu.matmul %bitcast_convert_type3A_64, %get3A_71, %dot_general3A_72 {dimension_numbers = #tpu.dot_dimension_numbers<[1], [0], [0], [1], [0, 0, 1, 1], [], []>, transpose_lhs_hint = false} : vector<2048x64xf32>, vector<64x384xf32>, vector<2048x384xf32> -> vector<2048x384xf32>
    %add3A = arith.addf %dot_general3A_68, %dot_general3A_73 : vector<2048x384xf32>
    %get3A_74 = arith.constant 0 : index
    %get3A_75 = arith.constant 0 : index
    %get3A_76 = vector.load %arg7[%get3A_74, %get3A_75] : memref<8x384xf32, #tpu.memory_space<vmem>>, vector<1x384xf32>
    %add3A_77 = vector.broadcast %get3A_76 : vector<1x384xf32> to vector<2048x384xf32>
    %add3A_78 = arith.addf %add3A, %add3A_77 : vector<2048x384xf32>
    %max3A = arith.constant 0.000000e+00 : f32
    %max3A_79 = vector.broadcast %max3A : f32 to vector<2048x384xf32>
    %max3A_80 = arith.maximumf %add3A_78, %max3A_79 : vector<2048x384xf32>
    %get3A_81 = arith.constant 0 : index
    %get3A_82 = arith.constant 0 : index
    %get3A_83 = vector.load %arg8[%get3A_81, %get3A_82] : memref<384x8xf32, #tpu.memory_space<vmem>>, vector<384x8xf32>
    %dot_general3A_84 = arith.constant dense<0.000000e+00> : vector<2048x8xf32>
    %dot_general3A_85 = tpu.matmul %max3A_80, %get3A_83, %dot_general3A_84 {dimension_numbers = #tpu.dot_dimension_numbers<[1], [0], [0], [1], [0, 0, 1, 1], [], []>, transpose_lhs_hint = false} : vector<2048x384xf32>, vector<384x8xf32>, vector<2048x8xf32> -> vector<2048x8xf32>
    %get3A_86 = arith.constant 0 : index
    %get3A_87 = arith.constant 0 : index
    %get3A_88 = vector.load %arg9[%get3A_86, %get3A_87] : memref<8x8xf32, #tpu.memory_space<vmem>>, vector<1x8xf32>
    %add3A_89 = vector.broadcast %get3A_88 : vector<1x8xf32> to vector<2048x8xf32>
    %add3A_90 = arith.addf %dot_general3A_85, %add3A_89 : vector<2048x8xf32>
    %logistic3A = arith.negf %add3A_90 : vector<2048x8xf32>
    %logistic3A_91 = math.exp %logistic3A : vector<2048x8xf32>
    %logistic3A_92 = arith.constant 1.000000e+00 : f32
    %logistic3A_93 = vector.broadcast %logistic3A_92 : f32 to vector<2048x8xf32>
    %logistic3A_94 = arith.addf %logistic3A_93, %logistic3A_91 : vector<2048x8xf32>
    %logistic3A_95 = arith.divf %logistic3A_93, %logistic3A_94 : vector<2048x8xf32>
    %mul3A = arith.constant 5.500000e+00 : f32
    %mul3A_96 = vector.broadcast %mul3A : f32 to vector<2048x8xf32>
    %mul3A_97 = arith.mulf %logistic3A_95, %mul3A_96 : vector<2048x8xf32>
    %add3A_98 = arith.constant 0.000000e+00 : f32
    %add3A_99 = vector.broadcast %add3A_98 : f32 to vector<2048x8xf32>
    %add3A_100 = arith.addf %mul3A_97, %add3A_99 : vector<2048x8xf32>
    %swap3A = arith.constant 0 : index
    %swap3A_101 = arith.constant 0 : index
    %swap3A_102 = vector.load %arg10[%swap3A, %swap3A_101] : memref<2048x8xf32, #tpu.memory_space<vmem>>, vector<2048x8xf32>
    tpu.vector_store %arg10[%swap3A, %swap3A_101], %add3A_100 {strides = array<i32>} : memref<2048x8xf32, #tpu.memory_space<vmem>>, vector<2048x8xf32>,
    return
  }
  func.func @transform_0(%arg0: i32) -> (i32, i32) {
    %c0_i32 = arith.constant 0 : i32
    %c0_i32_0 = arith.constant 0 : i32
    return %arg0, %c0_i32 : i32, i32
  }
  func.func @transform_1(%arg0: i32) -> (i32, i32) {
    %c0_i32 = arith.constant 0 : i32
    %c0_i32_0 = arith.constant 0 : i32
    return %arg0, %c0_i32 : i32, i32
  }
  func.func @transform_2(%arg0: i32) -> (i32, i32) {
    %c0_i32 = arith.constant 0 : i32
    %c0_i32_0 = arith.constant 0 : i32
    return %arg0, %c0_i32 : i32, i32
  }
  func.func @transform_3(%arg0: i32) -> (i32, i32) {
    %c0_i32 = arith.constant 0 : i32
    %c0_i32_0 = arith.constant 0 : i32
    return %arg0, %c0_i32 : i32, i32
  }
  func.func @transform_4(%arg0: i32) -> (i32, i32) {
    %c0_i32 = arith.constant 0 : i32
    %c0_i32_0 = arith.constant 0 : i32
    %c0_i32_1 = arith.constant 0 : i32
    return %c0_i32, %c0_i32_0 : i32, i32
  }
  func.func @transform_5(%arg0: i32) -> (i32, i32) {
    %c0_i32 = arith.constant 0 : i32
    %c0_i32_0 = arith.constant 0 : i32
    %c0_i32_1 = arith.constant 0 : i32
    return %c0_i32, %c0_i32_0 : i32, i32
  }
  func.func @transform_6(%arg0: i32) -> (i32, i32) {
    %c0_i32 = arith.constant 0 : i32
    %c0_i32_0 = arith.constant 0 : i32
    %c0_i32_1 = arith.constant 0 : i32
    return %c0_i32, %c0_i32_0 : i32, i32
  }
  func.func @transform_7(%arg0: i32) -> (i32, i32) {
    %c0_i32 = arith.constant 0 : i32
    %c0_i32_0 = arith.constant 0 : i32
    %c0_i32_1 = arith.constant 0 : i32
    return %c0_i32, %c0_i32_0 : i32, i32
  }
  func.func @transform_8(%arg0: i32) -> (i32, i32) {
    %c0_i32 = arith.constant 0 : i32
    %c0_i32_0 = arith.constant 0 : i32
    %c0_i32_1 = arith.constant 0 : i32
    return %c0_i32, %c0_i32_0 : i32, i32
  }
  func.func @transform_9(%arg0: i32) -> (i32, i32) {
    %c0_i32 = arith.constant 0 : i32
    %c0_i32_0 = arith.constant 0 : i32
    return %arg0, %c0_i32 : i32, i32
  }
}

</mosaic_0001>

<sc_bundles>
// kernel: kernel.6.cloned.1.call-start
scs
__scs_entry_jumppad:
0x0: {  	(pc) =	sbr.rel $0x88, $3  }
0x1: {  	(tag) =	ssettag $0x0;
	lr =	simm.s32 $0x1  }
0x2: {  	[smem:$0x3F9A] =	sst lr;
	_ =	strace $0xD0000000  }
0x3: {  	_ = 	snop  }
0x4: {  	_ = 	snop  }
0x5: {  	_ = 	snop  }
0x6: {  	_ = 	snop  }
0x7: {  	_ = 	snop  }
__scs_overlays_trampoline_lowered:
0x8: {  	[smem:$0x3FA9] =	sst s0  }
0x9: {  	[smem:$0x3FAA] =	sst s1  }
0xa: {  	[smem:$0x3FAB] =	sst s2  }
0xb: {  	[smem:$0x3FAC] =	sst s3  }
0xc: {  	[smem:$0x3FAD] =	sst s4  }
0xd: {  	[smem:$0x3FAE] =	sst s5  }
0xe: {  	[smem:$0x3FAF] =	sst s6  }
0xf: {  	[smem:$0x3FB0] =	sst s7  }
0x10: {  	[smem:$0x3FB1] =	sst s8  }
0x11: {  	[smem:$0x3FB2] =	sst s9;
	s0 =	simm.s32 @!p0 $0x0  }
0x12: {  	s1 =	sld [smem:$0x3F98];
	s0 =	simm.s32 @p0 $0x1  }
0x13: {  	[smem:$0x3FB3] =	sst s0;
	s0 =	simm.s32 @!p1 $0x0  }
0x14: {  	s2 =	sld [smem:$0x3F97];
	s0 =	simm.s32 @p1 $0x1  }
0x15: {  	[smem:$0x3FB4] =	sst s0;
	s0 =	simm.s32 @!p2 $0x0  }
0x16: {  	s3 =	sld [smem:$0x3FDB];
	s0 =	simm.s32 @p2 $0x1  }
0x17: {  	s4 =	simm.s32 $0x1BF5;
	[smem:$0x3FB6] =	sst s0  }
0x18: {  	s0 =	sld [smem:$0x3F99];
	_ =	swait.ge [sflag:s4], $0x0  }
0x19: {  	s7 =	sld [smem:$0x3F9A]  }
0x1a: {  	s8 =	sadd.s32 $0xFFFFE003, lr  }
0x1b: {  	s9 =	sadd.s32 $0xFFFFFEF7, lr;
	s5 =	simm.s32 $0xFFFFFFFF;
	p2 =	slt.u32 s8, $0xFFFFF086  }
0x1c: {  	p1 =	slt.u32 s9, $0xF7A;
	s5 =	simm.s32 @!p2 $0x0  }
0x1d: {  	s5 =	simm.s32 @p1 $0x1;
	p0 =	seq.s32 s7, s2  }
0x1e: {  	s7 =	smul.u32 @!p0 $0xF7A, s2;
	p2 =	seq.s32 @!p0 s5, $0x0  }
0x1f: {  	s9 =	smul.u32 $0xF7A, s1;
	s8 =	simm.s32 @!p0 $0x1BF5;
	p2 =	por !p2, p0  }
0x20: {  	[sflag:s8] =	ssyncset.s32 @!p0 $0xFFFFF086;
	s6 =	sadd.s32 @!p0 s3, s7;
	s7 =	simm.s32 @!p0 $0x108  }
0x21: {  	s3 =	sadd.s32 s3, s9;
	s6 =	sadd.s32 @!p0 $0x88, s6;
	s7 =	simm.s32 @p2 $0x1082  }
0x22: {  	[simem:s7], [sflag:s8] =	dma.local @!p0 [hbm:s6], $0xF7A  }
0x23: {  	s9 =	sor.u32 $0xD0000000, s2;
	s6 =	simm.s32 $0x108;
	_ =	swait.ge @!p0 [sflag:s8], $0x0  }
0x24: {  	s3 =	sadd.s32 $0x88, s3;
	s6 =	simm.s32 @!p1 $0x1082;
	[sflag:s4] =	ssyncset.s32 $0xFFFFF086  }
0x25: {  	[simem:s6], [sflag:s4] =	dma.local [hbm:s3], $0xF7A  }
0x26: {  	[smem:$0x3F9A] =	sst s1;
	(tag) =	ssettag s2;
	_ =	strace s9  }
0x27: {  	s1 =	sld [smem:$0x3FAA]  }
0x28: {  	s2 =	sld [smem:$0x3FAB]  }
0x29: {  	s4 =	sld [smem:$0x3FAD]  }
0x2a: {  	p0 =	seq.s32 s5, $0x0;
	s5 =	sld [smem:$0x3FAE]  }
0x2b: {  	s6 =	sld [smem:$0x3FAF]  }
0x2c: {  	s7 =	sld [smem:$0x3FB0]  }
0x2d: {  	s3 =	simm.s32 $0x108;
	s8 =	sld [smem:$0x3FB1]  }
0x2e: {  	s3 =	simm.s32 @!p0 $0x1082;
	s9 =	sld [smem:$0x3FB2]  }
0x2f: {  	lr =	sadd.s32 s0, s3;
	s0 =	sld [smem:$0x3FA9]  }
0x30: {  	s3 =	sld [smem:$0x3FAC]  }
0x31: {  	[smem:$0x3FB5] =	sst s10  }
0x32: {  	s10 =	sld [smem:$0x3FB3];
	_ =	sdelay $0x3  }
0x33: {  	p0 =	seq.s32 s10, $0x1;
	s10 =	sld [smem:$0x3FB5];
	_ =	sdelay $0x3  }
0x34: {  	[smem:$0x3FB5] =	sst s10  }
0x35: {  	s10 =	sld [smem:$0x3FB4];
	_ =	sdelay $0x3  }
0x36: {  	p1 =	seq.s32 s10, $0x1;
	s10 =	sld [smem:$0x3FB5];
	_ =	sdelay $0x3  }
0x37: {  	[smem:$0x3FB5] =	sst s10  }
0x38: {  	s10 =	sld [smem:$0x3FB6]  }
0x39: {  	_ = 	snop;
	(pc) =	sbr.ind lr, $3  }
0x3a: {  	_ = 	snop  }
0x3b: {  	_ = 	snop  }
0x3c: {  	p2 =	seq.s32 s10, $0x1;
	s10 =	sld [smem:$0x3FB5]  }
0x3d: {  	_ =	shalt  }
0x3e: {  	_ =	shalt  }
0x3f: {  	_ =	shalt  }
0x40: {  	_ =	shalt  }
0x41: {  	_ =	shalt  }
0x42: {  	_ =	shalt  }
0x43: {  	_ =	shalt  }
0x44: {  	_ =	shalt  }
0x45: {  	_ =	shalt  }
0x46: {  	_ =	shalt  }
0x47: {  	_ =	shalt  }
0x48: {  	_ =	shalt  }
0x49: {  	_ =	shalt  }
0x4a: {  	_ =	shalt  }
0x4b: {  	_ =	shalt  }
0x4c: {  	_ =	shalt  }
0x4d: {  	_ =	shalt  }
0x4e: {  	_ =	shalt  }
0x4f: {  	_ =	shalt  }
0x50: {  	_ =	shalt  }
0x51: {  	_ =	shalt  }
0x52: {  	_ =	shalt  }
0x53: {  	_ =	shalt  }
0x54: {  	_ =	shalt  }
0x55: {  	_ =	shalt  }
0x56: {  	_ =	shalt  }
0x57: {  	_ =	shalt  }
0x58: {  	_ =	shalt  }
0x59: {  	_ =	shalt  }
0x5a: {  	_ =	shalt  }
0x5b: {  	_ =	shalt  }
0x5c: {  	_ =	shalt  }
0x5d: {  	_ =	shalt  }
0x5e: {  	_ =	shalt  }
0x5f: {  	_ =	shalt  }
0x60: {  	_ =	shalt  }
0x61: {  	_ =	shalt  }
0x62: {  	_ =	shalt  }
0x63: {  	_ =	shalt  }
0x64: {  	_ =	shalt  }
0x65: {  	_ =	shalt  }
0x66: {  	_ =	shalt  }
0x67: {  	_ =	shalt  }
0x68: {  	_ =	shalt  }
0x69: {  	_ =	shalt  }
0x6a: {  	_ =	shalt  }
0x6b: {  	_ =	shalt  }
0x6c: {  	_ =	shalt  }
0x6d: {  	_ =	shalt  }
0x6e: {  	_ =	shalt  }
0x6f: {  	_ =	shalt  }
0x70: {  	_ =	shalt  }
0x71: {  	_ =	shalt  }
0x72: {  	_ =	shalt  }
0x73: {  	_ =	shalt  }
0x74: {  	_ =	shalt  }
0x75: {  	_ =	shalt  }
0x76: {  	_ =	shalt  }
0x77: {  	_ =	shalt  }
0x78: {  	_ =	shalt  }
0x79: {  	_ =	shalt  }
0x7a: {  	_ =	shalt  }
0x7b: {  	_ =	shalt  }
0x7c: {  	_ =	shalt  }
0x7d: {  	_ =	shalt  }
0x7e: {  	_ =	shalt  }
0x7f: {  	_ =	shalt  }
0x80: {  	_ =	shalt  }
0x81: {  	_ =	shalt  }
0x82: {  	_ =	shalt  }
0x83: {  	_ =	shalt  }
0x84: {  	_ =	shalt  }
0x85: {  	_ =	shalt  }
0x86: {  	_ =	shalt  }
0x87: {  	_ =	shalt  }
.Lfunc_end0:
.L_simem_size_0:
called_computation_lowered:
.L_overlay_start_0:
0x88: {  	s2 =	sld [smem:$0x3FD9]  }
0x89: {  	s3 =	sld [smem:$0x3FFE];
	_ =	sdelay $0x1  }
0x8a: {  	s1 =	srdreg.scid  }
0x8b: {  	s0 =	sand.u32 $0x1, s1  }
0x8c: {  	s16 =	sshll.u32 s0, $0xA;
	s2 =	sadd.s32 s3, s2  }
0x8d: {  	s2 =	sadd.s32 s2, s16  }
0x8e: {  	[smem:$0x3FC1] =	sst s2  }
0x8f: {  	_ = 	snop  }
0x90: {  	(tm) =	ssettm $0x1  }
0x91: {  	s17 =	sld [smem:$0x3FFB];
	_ =	sdelay $0x3  }
0x92: {  	_ =	strace s17  }
0x93: {  	s2 =	sld [smem:$0x3FFC];
	_ =	sdelay $0x3  }
0x94: {  	_ =	strace s2  }
0x95: {  	s2 =	sld [smem:$0x3FFD];
	_ =	sdelay $0x3  }
0x96: {  	_ =	strace s2  }
0x97: {  	_ =	strace $0x8FFFFFFF  }
0x98: {  	s18 =	sld [smem:$0x3FDB];
	_ =	sdelay $0x1  }
0x99: {  	s19 =	simm.s32 $_scs_section_size  }
0x9a: {  	s4 =	simm.s32 $_size__tile_overlayer_lowered;
	s5 =	simm.s32 $_tile_overlayer_lowered  }
0x9b: {  	s22 =	simm.s32 $0x1BFF;
	s21 =	sshll.u32 s5, $0x1;
	s2 =	sadd.s32 s19, s18  }
0x9c: {  	s6 =	simm.s32 $0x0;
	s20 =	sshll.u32 s4, $0x1;
	s4 =	sadd.s32 s21, s2  }
0x9d: {  	[timem:s6], [sflag:s22] =	dma.local [hbm:s4], s20  }
0x9e: {  	_ =	swait.ge [sflag:s22], s20  }
0x9f: {  	s3 =	ssub.s32 $0x0, s20;
	[sflag:s22] =	ssyncset.done $0x0  }
0xa0: {  	[sflag:s22] =	ssyncadd.s32 s3;
	_ =	sdelay $0x1  }
0xa1: {  	s23 =	simm.s32 $0x1B8B  }
0xa2: {  	_ =	swait.ge [sflag:s23], $0x1  }
0xa3: {  	[sflag:s23] =	ssyncset.done $0x0  }
0xa4: {  	s25 =	simm.s32 $0x1B8E;
	s24 =	sld [smem:$0x3FFE];
	[sflag:s23] =	ssyncadd.s32 $0xFFFFFFFF  }
0xa5: {  	s26 =	simm.s32 $execute0_lowered;
	[smem:$0x3FD2] =	sst s25  }
0xa6: {  	s4 =	sshll.u32 s26, $0x1;
	_ =	strace $0x80000046;
	[dreg:$0x1] =	wrdreg $0xFFFFFFFF  }
0xa7: {  	s28 =	simm.s32 $_size_execute0_lowered;
	s2 =	sadd.s32 s2, s4;
	[dreg:$0x0] =	wrdreg $0x0  }
0xa8: {  	s4 =	sshll.u32 s28, $0x1;
	[dreg:$0x2] =	wrdreg s2  }
0xa9: {  	[dreg:$0x3] =	wrdreg s4  }
0xaa: {  	[dreg:$0x4] =	wrdreg $0xC0  }
0xab: {  	_ =	task [dreg:s6], $0x5FFFF  }
0xac: {  	[dreg:$0x1] =	wrdreg $0xFFFFFFFF  }
0xad: {  	[dreg:$0x0] =	wrdreg $0x60  }
0xae: {  	[dreg:$0x2] =	wrdreg s24  }
0xaf: {  	[dreg:$0x3] =	wrdreg $0x9  }
0xb0: {  	_ =	task.clear_ibuf [dreg:s6], $0x4FFFF;
	_ =	strace $0x90000046  }
0xb1: {  	s29 =	simm.s32 $0x9;
	_ =	strace $0x80000048  }
0xb2: {  	_ =	swait.ge [sflag:s29], $0x1  }
0xb3: {  	[sflag:s29] =	ssyncadd.s32 $0xFFFFFFFF  }
0xb4: {  	_ =	strace $0x90000048  }
0xb5: {  	_ =	sfence  }
0xb6: {  	s30 =	sld [smem:$0x0];
	_ =	sdelay $0x2  }
0xb7: {  	s31 =	sshll.u32 s1, $0xD;
	s1 =	sshrl.u32 s1, $0x2  }
0xb8: {  	s3 =	sand.u32 $0x4000, s31;
	s1 =	sadd.s32 s1, s30  }
0xb9: {  	s0 =	sor.u32 s3, s0;
	s1 =	sshll.u32 s1, $0x11  }
0xba: {  	s0 =	sor.u32 s1, s0  }
0xbb: {  	s0 =	sadd.s32 $0x8F2B, s0  }
0xbc: {  	[sflag:s0] =	ssyncadd.remote.s32 $0x1  }
0xbd: {  	_ =	sfence.sel $0xFFFF  }
0xbe: {  	[dreg:$0x0] =	wrdreg $0xFFFFFFFF;
	(pc) =	sbr.abs _section_cstart, $3  }
0xbf: {  	[dreg:$0x1] =	wrdreg $0xFFFFFFFF  }
0xc0: {  	_ =	task.clear_ibuf [dreg:s6], $0x2FFFF;
	_ =	strace $0x9FFFFFFF  }
0xc1: {  	(tm) =	ssettm $0x7FFFFFFF  }
tec
execute0_lowered:
.L_overlay_start_1:
0x0: {  	(tag) =	ssettag $0x1  }
0x1: {  	s1 =	srdreg.scid  }
0x2: {  	s0 =	stileid.u32;
	s21 =	sand.u32 $0x1, s1  }
0x3: {  	s17 =	rddreg [dreg:$0x0];
	s3 =	sshll.u32 s0, $0x7;
	s4 =	sshll.u32 s21, $0x6  }
0x4: {  	s2 =	simm.s32 $0x0;
	s1 =	rddreg [dreg:$0x1];
	s3 =	sor.u32 s4, s3  }
0x5: {  	[smem:$0x7FF] =	sst s2;
	s5 =	sadd.s32 s3, s17  }
0x6: {  	_ =	strace $0x80000047;
	s3 =	simm.s32 $0x2;
	s4 =	sadd.s32 $0x2000, s5  }
0x7: {  	[tilespmem:s2], [sflag:$0x2] =	stream.linear.gather [hbm4b:s4+s2], $0x200, $0x38;
	[tilespmem:$0x10400] =	vst v63  }
0x8: {  	_ =	swait.ge [sflag:s3], $0x200  }
0x9: {  	[sflag:s3] =	ssyncset.done $0x0  }
0xa: {  	s6 =	simm.s32 $0x200;
	s5 =	sadd.s32 $0x2800, s5;
	[sflag:s3] =	ssyncadd.s32 $0xFFFFFE00  }
0xb: {  	[tilespmem:s6], [sflag:$0x2] =	stream.linear.gather [hbm4b:s5+s2], $0x200, $0x38;
	[tilespmem:$0x10400] =	vst v63  }
0xc: {  	_ =	swait.ge [sflag:s3], $0x200  }
0xd: {  	s8 =	simm.s32 $0x80;
	[sflag:s3] =	ssyncset.done $0x0  }
0xe: {  	s9 =	simm.s32 $0x400;
	s7 =	sadd.s32 $0x3800, s17;
	[sflag:s3] =	ssyncadd.s32 $0xFFFFFE00  }
0xf: {  	[tilespmem:s9], [sflag:$0x1] =	stream.indirect.gather [hbm4b:s7+s8], $0x80, s2, s8, $0xb8;
	[tilespmem:$0x10400] =	vst v63  }
0x10: {  	s10 =	simm.s32 $0x4400  }
0x11: {  	[tilespmem:s10], [sflag:$0x1] =	stream.indirect.gather [hbm4b:s7+s8], $0x80, s8, s8, $0xb8;
	[tilespmem:$0x10400] =	vst v63  }
0x12: {  	s11 =	simm.s32 $0x100;
	s12 =	simm.s32 $0x8400  }
0x13: {  	[tilespmem:s12], [sflag:$0x1] =	stream.indirect.gather [hbm4b:s7+s8], $0x80, s11, s8, $0xb8;
	[tilespmem:$0x10400] =	vst v63  }
0x14: {  	s13 =	simm.s32 $0x180;
	s14 =	simm.s32 $0xC400;
	s15 =	simm.s32 $0x1  }
0x15: {  	[tilespmem:s14], [sflag:$0x1] =	stream.indirect.gather [hbm4b:s7+s8], $0x80, s13, s8, $0xb8;
	[tilespmem:$0x10400] =	vst v63  }
0x16: {  	_ =	swait.ge [sflag:s15], $0x4000  }
0x17: {  	[sflag:s15] =	ssyncset.done $0x0  }
0x18: {  	[sflag:s15] =	ssyncadd.s32 $0xFFFFC000  }
0x19: {  	_ =	swait.ge [sflag:s15], $0x4000  }
0x1a: {  	[sflag:s15] =	ssyncset.done $0x0  }
0x1b: {  	[sflag:s15] =	ssyncadd.s32 $0xFFFFC000  }
0x1c: {  	_ =	swait.ge [sflag:s15], $0x4000  }
0x1d: {  	[sflag:s15] =	ssyncset.done $0x0  }
0x1e: {  	s16 =	sshll.u32 s0, $0xE;
	s18 =	sshll.u32 s21, $0xD;
	[sflag:s15] =	ssyncadd.s32 $0xFFFFC000  }
0x1f: {  	s16 =	sor.u32 s18, s16;
	_ =	swait.ge [sflag:s15], $0x4000  }
0x20: {  	s22 =	sadd.s32 s16, s17;
	[sflag:s15] =	ssyncset.done $0x0  }
0x21: {  	s16 =	sadd.s32 $0x7C3800, s22;
	[sflag:s15] =	ssyncadd.s32 $0xFFFFC000  }
0x22: {  	[hbm4b:s16+s2] =	stream.linear.scatter [tilespmem:s9], [sflag:$0x2], $0x10000, $0x38;
	[tilespmem:$0x10400] =	vst v63  }
0x23: {  	_ =	swait.ge [sflag:s3], $0x10000  }
0x24: {  	[sflag:s3] =	ssyncset.done $0x0  }
0x25: {  	s17 =	sadd.s32 $0x3E3800, s17;
	[sflag:s3] =	ssyncadd.s32 $0xFFFF0000  }
0x26: {  	[tilespmem:s9], [sflag:$0x1] =	stream.indirect.gather [hbm4b:s17+s8], $0x80, s6, s8, $0xb8;
	[tilespmem:$0x10400] =	vst v63  }
0x27: {  	s18 =	simm.s32 $0x280  }
0x28: {  	[tilespmem:s10], [sflag:$0x1] =	stream.indirect.gather [hbm4b:s17+s8], $0x80, s18, s8, $0xb8;
	[tilespmem:$0x10400] =	vst v63  }
0x29: {  	s19 =	simm.s32 $0x300  }
0x2a: {  	[tilespmem:s12], [sflag:$0x1] =	stream.indirect.gather [hbm4b:s17+s8], $0x80, s19, s8, $0xb8;
	[tilespmem:$0x10400] =	vst v63  }
0x2b: {  	s20 =	simm.s32 $0x380  }
0x2c: {  	[tilespmem:s14], [sflag:$0x1] =	stream.indirect.gather [hbm4b:s17+s8], $0x80, s20, s8, $0xb8;
	[tilespmem:$0x10400] =	vst v63  }
0x2d: {  	_ =	swait.ge [sflag:s15], $0x4000  }
0x2e: {  	[sflag:s15] =	ssyncset.done $0x0  }
0x2f: {  	[sflag:s15] =	ssyncadd.s32 $0xFFFFC000  }
0x30: {  	_ =	swait.ge [sflag:s15], $0x4000  }
0x31: {  	[sflag:s15] =	ssyncset.done $0x0  }
0x32: {  	s21 =	ssub.s32 $0x2, s21;
	[sflag:s15] =	ssyncadd.s32 $0xFFFFC000  }
0x33: {  	s23 =	sshrl.u32 s21, $0x1;
	_ =	swait.ge [sflag:s15], $0x4000  }
0x34: {  	s23 =	ssub.s32 s21, s23;
	[sflag:s15] =	ssyncset.done $0x0  }
0x35: {  	s31 =	smax.u32 s23, $0x1;
	[sflag:s15] =	ssyncadd.s32 $0xFFFFC000  }
0x36: {  	p0 =	sne.s32 s31, $0x1;
	_ =	swait.ge [sflag:s15], $0x4000  }
.Ltmp0:
0x37: {  	[sflag:s15] =	ssyncset.done $0x0;
	(pc) =	sbr.rel @!p0 .LBB2_2-.Ltmp0, $4  }
0x38: {  	s21 =	sadd.s32 $0x803800, s22;
	[sflag:s15] =	ssyncadd.s32 $0xFFFFC000  }
0x39: {  	[hbm4b:s21+s2] =	stream.linear.scatter [tilespmem:s9], [sflag:$0x2], $0x10000, $0x38;
	[tilespmem:$0x10400] =	vst v63  }
0x3a: {  	_ =	swait.ge [sflag:s3], $0x10000  }
0x3b: {  	s22 =	sadd.s32 $0xFFFFFFFF, s31;
	[sflag:s3] =	ssyncset.done $0x0  }
.LBB2_1:
0x3c: {  	p0 =	sne.s32 s22, $0x1;
	s22 =	sadd.s32 $0xFFFFFFFF, s22;
	[sflag:s3] =	ssyncadd.s32 $0xFFFF0000  }
0x3d: {  	[tilespmem:s2], [sflag:$0x2] =	stream.linear.gather [hbm4b:s4+s2], $0x200, $0x38;
	[tilespmem:$0x10400] =	vst v63  }
0x3e: {  	_ =	swait.ge [sflag:s3], $0x200  }
0x3f: {  	[sflag:s3] =	ssyncset.done $0x0  }
0x40: {  	[sflag:s3] =	ssyncadd.s32 $0xFFFFFE00  }
0x41: {  	[tilespmem:s6], [sflag:$0x2] =	stream.linear.gather [hbm4b:s5+s2], $0x200, $0x38;
	[tilespmem:$0x10400] =	vst v63  }
0x42: {  	_ =	swait.ge [sflag:s3], $0x200  }
0x43: {  	[sflag:s3] =	ssyncset.done $0x0  }
0x44: {  	[sflag:s3] =	ssyncadd.s32 $0xFFFFFE00  }
0x45: {  	[tilespmem:s9], [sflag:$0x1] =	stream.indirect.gather [hbm4b:s7+s8], $0x80, s2, s8, $0xb8;
	[tilespmem:$0x10400] =	vst v63  }
0x46: {  	_ = 	snop  }
0x47: {  	[tilespmem:s10], [sflag:$0x1] =	stream.indirect.gather [hbm4b:s7+s8], $0x80, s8, s8, $0xb8;
	[tilespmem:$0x10400] =	vst v63  }
0x48: {  	_ = 	snop  }
0x49: {  	[tilespmem:s12], [sflag:$0x1] =	stream.indirect.gather [hbm4b:s7+s8], $0x80, s11, s8, $0xb8;
	[tilespmem:$0x10400] =	vst v63  }
0x4a: {  	_ = 	snop  }
0x4b: {  	[tilespmem:s14], [sflag:$0x1] =	stream.indirect.gather [hbm4b:s7+s8], $0x80, s13, s8, $0xb8;
	[tilespmem:$0x10400] =	vst v63  }
0x4c: {  	_ =	swait.ge [sflag:s15], $0x4000  }
0x4d: {  	[sflag:s15] =	ssyncset.done $0x0  }
0x4e: {  	[sflag:s15] =	ssyncadd.s32 $0xFFFFC000  }
0x4f: {  	_ =	swait.ge [sflag:s15], $0x4000  }
0x50: {  	[sflag:s15] =	ssyncset.done $0x0  }
0x51: {  	[sflag:s15] =	ssyncadd.s32 $0xFFFFC000  }
0x52: {  	_ =	swait.ge [sflag:s15], $0x4000  }
0x53: {  	[sflag:s15] =	ssyncset.done $0x0  }
0x54: {  	[sflag:s15] =	ssyncadd.s32 $0xFFFFC000  }
0x55: {  	_ =	swait.ge [sflag:s15], $0x4000  }
0x56: {  	[sflag:s15] =	ssyncset.done $0x0  }
0x57: {  	[sflag:s15] =	ssyncadd.s32 $0xFFFFC000  }
0x58: {  	[hbm4b:s16+s2] =	stream.linear.scatter [tilespmem:s9], [sflag:$0x2], $0x10000, $0x38;
	[tilespmem:$0x10400] =	vst v63  }
0x59: {  	_ =	swait.ge [sflag:s3], $0x10000  }
0x5a: {  	[sflag:s3] =	ssyncset.done $0x0  }
0x5b: {  	[sflag:s3] =	ssyncadd.s32 $0xFFFF0000  }
0x5c: {  	[tilespmem:s9], [sflag:$0x1] =	stream.indirect.gather [hbm4b:s17+s8], $0x80, s6, s8, $0xb8;
	[tilespmem:$0x10400] =	vst v63  }
0x5d: {  	_ = 	snop  }
0x5e: {  	[tilespmem:s10], [sflag:$0x1] =	stream.indirect.gather [hbm4b:s17+s8], $0x80, s18, s8, $0xb8;
	[tilespmem:$0x10400] =	vst v63  }
0x5f: {  	_ = 	snop  }
0x60: {  	[tilespmem:s12], [sflag:$0x1] =	stream.indirect.gather [hbm4b:s17+s8], $0x80, s19, s8, $0xb8;
	[tilespmem:$0x10400] =	vst v63  }
0x61: {  	_ = 	snop  }
0x62: {  	[tilespmem:s14], [sflag:$0x1] =	stream.indirect.gather [hbm4b:s17+s8], $0x80, s20, s8, $0xb8;
	[tilespmem:$0x10400] =	vst v63  }
0x63: {  	_ =	swait.ge [sflag:s15], $0x4000  }
0x64: {  	[sflag:s15] =	ssyncset.done $0x0  }
0x65: {  	[sflag:s15] =	ssyncadd.s32 $0xFFFFC000  }
0x66: {  	_ =	swait.ge [sflag:s15], $0x4000  }
0x67: {  	[sflag:s15] =	ssyncset.done $0x0  }
0x68: {  	[sflag:s15] =	ssyncadd.s32 $0xFFFFC000  }
0x69: {  	_ =	swait.ge [sflag:s15], $0x4000  }
0x6a: {  	[sflag:s15] =	ssyncset.done $0x0  }
0x6b: {  	[sflag:s15] =	ssyncadd.s32 $0xFFFFC000  }
0x6c: {  	_ =	swait.ge [sflag:s15], $0x4000  }
.Ltmp1:
0x6d: {  	[sflag:s15] =	ssyncset.done $0x0;
	(pc) =	sbr.rel @p0 .LBB2_1-.Ltmp1, $4  }
0x6e: {  	[sflag:s15] =	ssyncadd.s32 $0xFFFFC000  }
0x6f: {  	[hbm4b:s21+s2] =	stream.linear.scatter [tilespmem:s9], [sflag:$0x2], $0x10000, $0x38;
	[tilespmem:$0x10400] =	vst v63  }
0x70: {  	_ =	swait.ge [sflag:s3], $0x10000  }
0x71: {  	[sflag:s3] =	ssyncset.done $0x0  }
.LBB2_2:
0x72: {  	[sflag:s3] =	ssyncadd.s32 $0xFFFF0000  }
0x73: {  	_ =	sfence.sel $0x180000  }
0x74: {  	[bflag:$0x0] =	sbarrier.arrive $0xFFFF  }
0x75: {  	p0 =	sne.s32 s0, $0x0;
	_ =	strace $0x90000047  }
0x76: {  	s0 =	sadd.s32 @!p0 $0x100000, s1;
	[bflag:$0x2] =	sbarrier.arrive $0xFFFF  }
0x77: {  	[sflag:s0] =	ssyncadd.tile.s32 @!p0 $0x1;
	_ =	shalt  }
.Lfunc_end2:
_tile_overlayer_lowered:
.L_overlay_start_2:
0x78: {  	(tag) =	ssettag $0x2  }
0x79: {  	s0 =	rddreg [dreg:$0x0];
	s2 =	stileid.u32  }
0x7a: {  	s1 =	rddreg [dreg:$0x1];
	p0 =	sne.s32 s2, $0x0  }
0x7b: {  	s3 =	rddreg [dreg:$0x2];
	[bflag:$0x3] =	sbarrier.arrive $0xFFFF;
	s2 =	simm.s32 @!p0 $0x1C02  }
0x7c: {  	[timem:s3], [sflag:s2] =	dma.local @!p0 [hbm:s0], s1  }
0x7d: {  	s0 =	simm.s32 @!p0 $0x2  }
0x7e: {  	_ =	swait.ge @!p0 [sflag:s0], s1  }
0x7f: {  	s1 =	ssub.s32 @!p0 $0x0, s1;
	[sflag:s0] =	ssyncset.done @!p0 $0x0  }
0x80: {  	[sflag:s0] =	ssyncadd.s32 @!p0 s1  }
0x81: {  	[bflag:$0x3] =	sbarrier.arrive $0xFFFF  }
0x82: {  	_ =	shalt  }

</sc_bundles>
